<compile_context>
chip_gen: v7x
topology: tpu7x:2x2x1
jax: 0.10.2.dev20260603
libtpu: 0.0.44.dev20260713+nightly
codegen_flags: <defaults>
</compile_context>

<pallas_src>
import functools

import jax
import jax.numpy as jnp
from jax import lax
from jax.experimental import pallas as pl
from jax.experimental.pallas import tpu as pltpu
from jax.experimental.pallas import tpu_sc as plsc

NC = 2
NS = 16
NW = NC * NS
CHUNK = 128
ROW_BLOCK = 1000



def _mm_bias_body(x_ref, w_ref, b_ref, o_ref):
    o_ref[...] = (
        jnp.dot(x_ref[...], w_ref[...], preferred_element_type=jnp.float32)
        + b_ref[...]
    )


def _mm_bias(x, W, b):
    n, d_in = x.shape
    d_out = W.shape[1]
    grid = n // ROW_BLOCK
    return pl.pallas_call(
        _mm_bias_body,
        grid=(grid,),
        in_specs=[
            pl.BlockSpec((ROW_BLOCK, d_in), lambda i: (i, 0)),
            pl.BlockSpec((d_in, d_out), lambda i: (0, 0)),
            pl.BlockSpec((1, d_out), lambda i: (0, 0)),
        ],
        out_specs=pl.BlockSpec((ROW_BLOCK, d_out), lambda i: (i, 0)),
        out_shape=jax.ShapeDtypeStruct((n, d_out), jnp.float32),
    )(x, W, b.reshape(1, d_out))


def _combine_relu_mm_body(acc_ref, w_ref, b_ref, o_ref):
    x1 = jnp.maximum(acc_ref[0] + acc_ref[1], 0.0)
    o_ref[...] = (
        jnp.dot(x1, w_ref[...], preferred_element_type=jnp.float32) + b_ref[...]
    )


def _combine_relu_mm(parts, W, b, n):
    d_in = parts.shape[2]
    d_out = W.shape[1]
    grid = n // ROW_BLOCK
    return pl.pallas_call(
        _combine_relu_mm_body,
        grid=(grid,),
        in_specs=[
            pl.BlockSpec((2, ROW_BLOCK, d_in), lambda i: (0, i, 0)),
            pl.BlockSpec((d_in, d_out), lambda i: (0, 0)),
            pl.BlockSpec((1, d_out), lambda i: (0, 0)),
        ],
        out_specs=pl.BlockSpec((ROW_BLOCK, d_out), lambda i: (i, 0)),
        out_shape=jax.ShapeDtypeStruct((n, d_out), jnp.float32),
    )(parts, W, b.reshape(1, d_out))


def _combine_body(acc_ref, o_ref):
    o_ref[...] = acc_ref[0] + acc_ref[1]


def _combine(parts, n):
    d = parts.shape[2]
    grid = n // ROW_BLOCK
    return pl.pallas_call(
        _combine_body,
        grid=(grid,),
        in_specs=[pl.BlockSpec((2, ROW_BLOCK, d), lambda i: (0, i, 0))],
        out_specs=pl.BlockSpec((ROW_BLOCK, d), lambda i: (i, 0)),
        out_shape=jax.ShapeDtypeStruct((n, d), jnp.float32),
    )(parts)



def _acc_rows(n):
    return ((n + 1 + NS * 8 - 1) // (NS * 8)) * (NS * 8)


def _make_sc_scatter(n, d, ch_per_tile):
    acc_rows = _acc_rows(n)
    per_tile = acc_rows // NS
    mesh = plsc.VectorSubcoreMesh(core_axis_name="c", subcore_axis_name="s")

    @functools.partial(
        pl.kernel,
        out_type=jax.ShapeDtypeStruct((NC, acc_rows, d), jnp.float32),
        mesh=mesh,
        scratch_types=[
            pltpu.VMEM((ch_per_tile, CHUNK), jnp.int32),
            pltpu.VMEM((ch_per_tile, CHUNK), jnp.int32),
            pltpu.VMEM((CHUNK, d), jnp.float32),
            pltpu.VMEM_SHARED((acc_rows, d), jnp.float32),
            pltpu.SemaphoreType.DMA,
        ],
    )
    def sc_scatter(support_hbm, src_hbm, dst_hbm, out_hbm,
                   srcp, dstp, rows_v, acc_sh, sem):
        c = lax.axis_index("c")
        s = lax.axis_index("s")
        t = c * NS + s

        def zbody(i, _):
            r = i // (d // 16)
            col = (i % (d // 16)) * 16
            rows_v[r, pl.ds(col, 16)] = jnp.zeros((16,), jnp.float32)
            return ()
        lax.fori_loop(0, CHUNK * (d // 16), zbody, ())
        zoffs = [(k * CHUNK, min(CHUNK, per_tile - k * CHUNK))
                 for k in range(-(-per_tile // CHUNK))]
        zd = [
            pltpu.async_copy(
                rows_v.at[pl.ds(0, nr)],
                acc_sh.at[pl.ds(s * per_tile + r0, nr)], sem)
            for r0, nr in zoffs
        ]
        pltpu.sync_copy(src_hbm.at[t], srcp)
        pltpu.sync_copy(dst_hbm.at[t], dstp)
        for dsc in zd:
            dsc.wait()
        plsc.subcore_barrier()

        def body(j, _):
            pltpu.async_copy(support_hbm.at[srcp.at[j]], rows_v, sem).wait()
            pltpu.sync_copy(rows_v, acc_sh.at[dstp.at[j]], add=True)
            return ()
        lax.fori_loop(0, ch_per_tile, body, ())
        plsc.subcore_barrier()

        for r0, nr in zoffs:
            base = s * per_tile + r0
            pltpu.sync_copy(acc_sh.at[pl.ds(base, nr)], rows_v.at[pl.ds(0, nr)])
            pltpu.sync_copy(
                rows_v.at[pl.ds(0, nr)], out_hbm.at[c].at[pl.ds(base, nr)])

    return sc_scatter



def kernel(x, adj, W1, b1, W2, b2):
    n, d = x.shape
    e = adj.shape[1]
    ch_per_tile = -(-e // (NW * CHUNK))
    e_pad = NW * ch_per_tile * CHUNK

    src = adj[0].astype(jnp.int32)
    dst = adj[1].astype(jnp.int32)
    pad = e_pad - e
    if pad:
        src = jnp.concatenate([src, jnp.zeros((pad,), jnp.int32)])
        dst = jnp.concatenate([dst, jnp.full((pad,), n, jnp.int32)])
    src_t = src.reshape(NW, ch_per_tile, CHUNK)
    dst_t = dst.reshape(NW, ch_per_tile, CHUNK)

    sc_scatter = _make_sc_scatter(n, d, ch_per_tile)

    support1 = _mm_bias(x, W1, b1)
    parts1 = sc_scatter(support1, src_t, dst_t)
    support2 = _combine_relu_mm(parts1, W2, b2, n)
    parts2 = sc_scatter(support2, src_t, dst_t)
    return _combine(parts2, n)

# --- scband reference (transcript-rebuilt; emitter-appended) ---
"""Pipeline reference for scband-node-encoder-82497731822002 (READ-ONLY COPY).

The authoritative reference and input builder live on the scoring server;
editing this copy changes nothing except your own understanding.
"""

import jax, jax.numpy as jnp
import numpy as np

N = 10000
E = 320000
D_IN = 128
D_HID = 128
D_OUT = 128


def setup_inputs(seed: int = 0) -> dict:
    key = jax.random.key(seed)
    k1, k2, k3, k4, k5, k6 = jax.random.split(key, 6)
    x = jax.random.normal(k1, (N, D_IN), dtype=jnp.float32)
    adj = jax.random.randint(k2, (2, E), 0, N, dtype=jnp.int64)
    W1 = jax.random.normal(k3, (D_IN, D_HID), dtype=jnp.float32) * 0.05
    b1 = jax.random.normal(k4, (D_HID,), dtype=jnp.float32) * 0.05
    W2 = jax.random.normal(k5, (D_HID, D_OUT), dtype=jnp.float32) * 0.05
    b2 = jax.random.normal(k6, (D_OUT,), dtype=jnp.float32) * 0.05
    return {"x": x, "adj": adj, "W1": W1, "b1": b1, "W2": W2, "b2": b2}


def reference(x, adj, W1, b1, W2, b2):
    # NodeEncoder with CFG.node_backbone == 'gcn' (eval mode: dropout is identity):
    #   x1 = relu(gc1(x, adj)); x2 = gc2(x1, adj)
    # GraphConvolution: support = x @ W + b; out = spmm(adj, support)
    # adj is represented as edge_index [2, E] (unweighted adjacency): out[dst] += support[src]
    n = x.shape[0]
    src = adj[0]
    dst = adj[1]
    # layer 1
    support1 = x @ W1 + b1
    agg1 = jax.ops.segment_sum(support1[src], dst, num_segments=n)
    x1 = jax.nn.relu(agg1)
    # layer 2
    support2 = x1 @ W2 + b2
    x2 = jax.ops.segment_sum(support2[src], dst, num_segments=n)
    return x2

if __name__ == "__main__":
    import jax
    _d = setup_inputs()
    print(jax.jit(kernel)(*tuple(_d.values())))

</pallas_src>

<mosaic_0001>
#map = affine_map<(d0, d1) -> (0, 0)>
#map1 = affine_map<(d0, d1) -> (0, 0, 0)>
module attributes {stable_mosaic.version = 14 : i64} {
  func.func @sc_scatter(%arg0: i32, %arg1: i32, %arg2: memref<10000x128xf32, #tpu.memory_space<hbm>>, %arg3: memref<32x79x128xi32, #tpu.memory_space<hbm>>, %arg4: memref<32x79x128xi32, #tpu.memory_space<hbm>>, %arg5: memref<2x10112x128xf32, #tpu.memory_space<hbm>>, %arg6: memref<79x128xi32, #tpu.memory_space<vmem>>, %arg7: memref<79x128xi32, #tpu.memory_space<vmem>>, %arg8: memref<128x128xf32, #tpu.memory_space<vmem>>, %arg9: memref<10112x128xf32, #tpu.memory_space<vmem_shared>>, %arg10: memref<!tpu.dma_semaphore, #tpu.memory_space<semaphore_mem>>) attributes {dimension_semantics = [#tpu.dimension_semantics<core_parallel>, #tpu.dimension_semantics<subcore_parallel>], iteration_bounds = array<i64: 2, 16>, scalar_prefetch = 0 : i64, scratch_operands = 5 : i64, tpu.core_type = #tpu.core_type<sc_vector_subcore>, window_params = [{transform_indices = #map}, {transform_indices = #map1}, {transform_indices = #map1}, {transform_indices = #map1}]} {
    %mul3A = arith.constant 16 : i32
    %mul3A_0 = arith.muli %arg0, %mul3A : i32
    %add3A = arith.addi %mul3A_0, %arg1 : i32
    %scan3A = arith.constant 0 : i32
    %scan3A_1 = arith.constant 1024 : i32
    %scan3A_2 = arith.addi %scan3A, %scan3A_1 : i32
    %scan3A_3 = arith.constant 1 : i32
    scf.for %scan3A_149 = %scan3A to %scan3A_2 step %scan3A_3  : i32 {
      %jit3A = arith.constant 8 : i32
      %div3A = arith.divsi %scan3A_149, %jit3A : i32
      %sign3A = arith.constant 0 : i32
      %sign3A_150 = arith.cmpi sgt, %scan3A_149, %sign3A : i32
      %sign3A_151 = arith.extui %sign3A_150 : i1 to i32
      %sign3A_152 = arith.constant 0 : i32
      %sign3A_153 = arith.cmpi slt, %scan3A_149, %sign3A_152 : i32
      %sign3A_154 = arith.extui %sign3A_153 : i1 to i32
      %sign3A_155 = arith.subi %sign3A_151, %sign3A_154 : i32
      %sign3A_156 = arith.constant 0 : i32
      %sign3A_157 = arith.cmpi sgt, %jit3A, %sign3A_156 : i32
      %sign3A_158 = arith.extui %sign3A_157 : i1 to i32
      %sign3A_159 = arith.constant 0 : i32
      %sign3A_160 = arith.cmpi slt, %jit3A, %sign3A_159 : i32
      %sign3A_161 = arith.extui %sign3A_160 : i1 to i32
      %sign3A_162 = arith.subi %sign3A_158, %sign3A_161 : i32
      %ne3A = arith.cmpi ne, %sign3A_155, %sign3A_162 : i32
      %rem3A = arith.remsi %scan3A_149, %jit3A : i32
      %ne3A_163 = arith.constant 0 : i32
      %ne3A_164 = arith.cmpi ne, %rem3A, %ne3A_163 : i32
      %and3A = arith.andi %ne3A, %ne3A_164 : i1
      %sub3A = arith.constant 1 : i32
      %sub3A_165 = arith.subi %div3A, %sub3A : i32
      %select_n3A = arith.select %and3A, %sub3A_165, %div3A : i32
      %jit3A_166 = arith.constant 8 : i32
      %eq3A = arith.constant 0 : i32
      %eq3A_167 = arith.cmpi eq, %jit3A_166, %eq3A : i32
      %jit3A_168 = arith.constant 1 : i32
      %select_n3A_169 = arith.select %eq3A_167, %jit3A_168, %jit3A_166 : i32
      %rem3A_170 = arith.remsi %scan3A_149, %select_n3A_169 : i32
      %ne3A_171 = arith.constant 0 : i32
      %ne3A_172 = arith.cmpi ne, %rem3A_170, %ne3A_171 : i32
      %lt3A = arith.constant 0 : i32
      %lt3A_173 = arith.cmpi slt, %rem3A_170, %lt3A : i32
      %lt3A_174 = arith.constant 0 : i32
      %lt3A_175 = arith.cmpi slt, %select_n3A_169, %lt3A_174 : i32
      %ne3A_176 = arith.xori %lt3A_173, %lt3A_175 : i1
      %and3A_177 = arith.andi %ne3A_176, %ne3A_172 : i1
      %add3A_178 = arith.addi %rem3A_170, %select_n3A_169 : i32
      %select_n3A_179 = arith.select %and3A_177, %add3A_178, %rem3A_170 : i32
      %mul3A_180 = arith.constant 16 : i32
      %mul3A_181 = arith.muli %select_n3A_179, %mul3A_180 : i32
      %broadcast_in_dim3A = arith.constant 0.000000e+00 : f32
      %broadcast_in_dim3A_182 = vector.broadcast %broadcast_in_dim3A : f32 to vector<16xf32>
      %swap3A = arith.index_cast %select_n3A : i32 to index
      %swap3A_183 = arith.index_cast %mul3A_181 : i32 to index
      %swap3A_184 = tpu.vector_load %arg8[%swap3A, %swap3A_183] {strides = array<i32>} : memref<128x128xf32, #tpu.memory_space<vmem>>, vector<1x16xf32>,
      %swap3A_185 = vector.shape_cast %swap3A_184 : vector<1x16xf32> to vector<16xf32>
      %swap3A_186 = vector.shape_cast %broadcast_in_dim3A_182 : vector<16xf32> to vector<1x16xf32>
      tpu.vector_store %arg8[%swap3A, %swap3A_183], %swap3A_186 {strides = array<i32>} : memref<128x128xf32, #tpu.memory_space<vmem>>, vector<1x16xf32>,
    }
    %scan3A_4 = arith.constant 1024 : i32
    %mul3A_5 = arith.constant 632 : i32
    %mul3A_6 = arith.muli %arg1, %mul3A_5 : i32
    %add3A_7 = arith.constant 0 : i32
    %add3A_8 = arith.addi %mul3A_6, %add3A_7 : i32
    %dma_start3A = arith.constant 0 : i32
    %dma_start3A_9 = arith.constant 0 : i32
    %dma_start3A_10 = tpu.memref_slice %arg8[%dma_start3A, %dma_start3A_9] : memref<128x128xf32, #tpu.memory_space<vmem>> -> memref<128x128xf32, #tpu.memory_space<vmem>>
    %dma_start3A_11 = arith.constant 0 : i32
    %dma_start3A_12 = tpu.memref_slice %arg9[%add3A_8, %dma_start3A_11] : memref<10112x128xf32, #tpu.memory_space<vmem_shared>> -> memref<128x128xf32, #tpu.memory_space<vmem_shared>>
    %dma_start3A_13 = arith.constant 0 : i32
    %dma_start3A_14 = tpu.memref_slice %arg9[%add3A_8, %dma_start3A_13] : memref<10112x128xf32, #tpu.memory_space<vmem_shared>> -> memref<128x128xf32, #tpu.memory_space<vmem_shared>>
    %dma_start3A_15 = arith.constant 0 : i32
    %dma_start3A_16 = arith.constant 0 : i32
    %dma_start3A_17 = tpu.memref_slice %arg8[%dma_start3A_15, %dma_start3A_16] : memref<128x128xf32, #tpu.memory_space<vmem>> -> memref<128x128xf32, #tpu.memory_space<vmem>>
    tpu.enqueue_dma source(%dma_start3A_17 : memref<128x128xf32, #tpu.memory_space<vmem>>) target(%dma_start3A_14 : memref<128x128xf32, #tpu.memory_space<vmem_shared>>) target_semaphore(%arg10 : memref<!tpu.dma_semaphore, #tpu.memory_space<semaphore_mem>>)
    %mul3A_18 = arith.constant 632 : i32
    %mul3A_19 = arith.muli %arg1, %mul3A_18 : i32
    %add3A_20 = arith.constant 128 : i32
    %add3A_21 = arith.addi %mul3A_19, %add3A_20 : i32
    %dma_start3A_22 = arith.constant 0 : i32
    %dma_start3A_23 = arith.constant 0 : i32
    %dma_start3A_24 = tpu.memref_slice %arg8[%dma_start3A_22, %dma_start3A_23] : memref<128x128xf32, #tpu.memory_space<vmem>> -> memref<128x128xf32, #tpu.memory_space<vmem>>
    %dma_start3A_25 = arith.constant 0 : i32
    %dma_start3A_26 = tpu.memref_slice %arg9[%add3A_21, %dma_start3A_25] : memref<10112x128xf32, #tpu.memory_space<vmem_shared>> -> memref<128x128xf32, #tpu.memory_space<vmem_shared>>
    %dma_start3A_27 = arith.constant 0 : i32
    %dma_start3A_28 = tpu.memref_slice %arg9[%add3A_21, %dma_start3A_27] : memref<10112x128xf32, #tpu.memory_space<vmem_shared>> -> memref<128x128xf32, #tpu.memory_space<vmem_shared>>
    %dma_start3A_29 = arith.constant 0 : i32
    %dma_start3A_30 = arith.constant 0 : i32
    %dma_start3A_31 = tpu.memref_slice %arg8[%dma_start3A_29, %dma_start3A_30] : memref<128x128xf32, #tpu.memory_space<vmem>> -> memref<128x128xf32, #tpu.memory_space<vmem>>
    tpu.enqueue_dma source(%dma_start3A_31 : memref<128x128xf32, #tpu.memory_space<vmem>>) target(%dma_start3A_28 : memref<128x128xf32, #tpu.memory_space<vmem_shared>>) target_semaphore(%arg10 : memref<!tpu.dma_semaphore, #tpu.memory_space<semaphore_mem>>)
    %mul3A_32 = arith.constant 632 : i32
    %mul3A_33 = arith.muli %arg1, %mul3A_32 : i32
    %add3A_34 = arith.constant 256 : i32
    %add3A_35 = arith.addi %mul3A_33, %add3A_34 : i32
    %dma_start3A_36 = arith.constant 0 : i32
    %dma_start3A_37 = arith.constant 0 : i32
    %dma_start3A_38 = tpu.memref_slice %arg8[%dma_start3A_36, %dma_start3A_37] : memref<128x128xf32, #tpu.memory_space<vmem>> -> memref<128x128xf32, #tpu.memory_space<vmem>>
    %dma_start3A_39 = arith.constant 0 : i32
    %dma_start3A_40 = tpu.memref_slice %arg9[%add3A_35, %dma_start3A_39] : memref<10112x128xf32, #tpu.memory_space<vmem_shared>> -> memref<128x128xf32, #tpu.memory_space<vmem_shared>>
    %dma_start3A_41 = arith.constant 0 : i32
    %dma_start3A_42 = tpu.memref_slice %arg9[%add3A_35, %dma_start3A_41] : memref<10112x128xf32, #tpu.memory_space<vmem_shared>> -> memref<128x128xf32, #tpu.memory_space<vmem_shared>>
    %dma_start3A_43 = arith.constant 0 : i32
    %dma_start3A_44 = arith.constant 0 : i32
    %dma_start3A_45 = tpu.memref_slice %arg8[%dma_start3A_43, %dma_start3A_44] : memref<128x128xf32, #tpu.memory_space<vmem>> -> memref<128x128xf32, #tpu.memory_space<vmem>>
    tpu.enqueue_dma source(%dma_start3A_45 : memref<128x128xf32, #tpu.memory_space<vmem>>) target(%dma_start3A_42 : memref<128x128xf32, #tpu.memory_space<vmem_shared>>) target_semaphore(%arg10 : memref<!tpu.dma_semaphore, #tpu.memory_space<semaphore_mem>>)
    %mul3A_46 = arith.constant 632 : i32
    %mul3A_47 = arith.muli %arg1, %mul3A_46 : i32
    %add3A_48 = arith.constant 384 : i32
    %add3A_49 = arith.addi %mul3A_47, %add3A_48 : i32
    %dma_start3A_50 = arith.constant 0 : i32
    %dma_start3A_51 = arith.constant 0 : i32
    %dma_start3A_52 = tpu.memref_slice %arg8[%dma_start3A_50, %dma_start3A_51] : memref<128x128xf32, #tpu.memory_space<vmem>> -> memref<128x128xf32, #tpu.memory_space<vmem>>
    %dma_start3A_53 = arith.constant 0 : i32
    %dma_start3A_54 = tpu.memref_slice %arg9[%add3A_49, %dma_start3A_53] : memref<10112x128xf32, #tpu.memory_space<vmem_shared>> -> memref<128x128xf32, #tpu.memory_space<vmem_shared>>
    %dma_start3A_55 = arith.constant 0 : i32
    %dma_start3A_56 = tpu.memref_slice %arg9[%add3A_49, %dma_start3A_55] : memref<10112x128xf32, #tpu.memory_space<vmem_shared>> -> memref<128x128xf32, #tpu.memory_space<vmem_shared>>
    %dma_start3A_57 = arith.constant 0 : i32
    %dma_start3A_58 = arith.constant 0 : i32
    %dma_start3A_59 = tpu.memref_slice %arg8[%dma_start3A_57, %dma_start3A_58] : memref<128x128xf32, #tpu.memory_space<vmem>> -> memref<128x128xf32, #tpu.memory_space<vmem>>
    tpu.enqueue_dma source(%dma_start3A_59 : memref<128x128xf32, #tpu.memory_space<vmem>>) target(%dma_start3A_56 : memref<128x128xf32, #tpu.memory_space<vmem_shared>>) target_semaphore(%arg10 : memref<!tpu.dma_semaphore, #tpu.memory_space<semaphore_mem>>)
    %mul3A_60 = arith.constant 632 : i32
    %mul3A_61 = arith.muli %arg1, %mul3A_60 : i32
    %add3A_62 = arith.constant 512 : i32
    %add3A_63 = arith.addi %mul3A_61, %add3A_62 : i32
    %dma_start3A_64 = arith.constant 0 : i32
    %dma_start3A_65 = arith.constant 0 : i32
    %dma_start3A_66 = tpu.memref_slice %arg8[%dma_start3A_64, %dma_start3A_65] : memref<128x128xf32, #tpu.memory_space<vmem>> -> memref<120x128xf32, #tpu.memory_space<vmem>>
    %dma_start3A_67 = arith.constant 0 : i32
    %dma_start3A_68 = tpu.memref_slice %arg9[%add3A_63, %dma_start3A_67] : memref<10112x128xf32, #tpu.memory_space<vmem_shared>> -> memref<120x128xf32, #tpu.memory_space<vmem_shared>>
    %dma_start3A_69 = arith.constant 0 : i32
    %dma_start3A_70 = tpu.memref_slice %arg9[%add3A_63, %dma_start3A_69] : memref<10112x128xf32, #tpu.memory_space<vmem_shared>> -> memref<120x128xf32, #tpu.memory_space<vmem_shared>>
    %dma_start3A_71 = arith.constant 0 : i32
    %dma_start3A_72 = arith.constant 0 : i32
    %dma_start3A_73 = tpu.memref_slice %arg8[%dma_start3A_71, %dma_start3A_72] : memref<128x128xf32, #tpu.memory_space<vmem>> -> memref<120x128xf32, #tpu.memory_space<vmem>>
    tpu.enqueue_dma source(%dma_start3A_73 : memref<120x128xf32, #tpu.memory_space<vmem>>) target(%dma_start3A_70 : memref<120x128xf32, #tpu.memory_space<vmem_shared>>) target_semaphore(%arg10 : memref<!tpu.dma_semaphore, #tpu.memory_space<semaphore_mem>>)
    "tpu.region"() ({
      %run_scoped3A = tpu.sem_alloc : memref<!tpu.dma_semaphore, #tpu.memory_space<semaphore_mem>>
      %dma_start3A_149 = arith.constant 0 : i32
      %dma_start3A_150 = arith.constant 0 : i32
      %dma_start3A_151 = tpu.memref_slice %arg3[%add3A, %dma_start3A_149, %dma_start3A_150] : memref<32x79x128xi32, #tpu.memory_space<hbm>> -> memref<1x79x128xi32, #tpu.memory_space<hbm>>
      %dma_start3A_152 = tpu.memref_squeeze %dma_start3A_151 : memref<1x79x128xi32, #tpu.memory_space<hbm>> -> memref<79x128xi32, #tpu.memory_space<hbm>>
      %dma_start3A_153 = arith.constant 0 : i32
      %dma_start3A_154 = arith.constant 0 : i32
      %dma_start3A_155 = tpu.memref_slice %arg3[%add3A, %dma_start3A_153, %dma_start3A_154] : memref<32x79x128xi32, #tpu.memory_space<hbm>> -> memref<1x79x128xi32, #tpu.memory_space<hbm>>
      %dma_start3A_156 = tpu.memref_squeeze %dma_start3A_155 : memref<1x79x128xi32, #tpu.memory_space<hbm>> -> memref<79x128xi32, #tpu.memory_space<hbm>>
      tpu.enqueue_dma source(%dma_start3A_156 : memref<79x128xi32, #tpu.memory_space<hbm>>) target(%arg6 : memref<79x128xi32, #tpu.memory_space<vmem>>) target_semaphore(%run_scoped3A : memref<!tpu.dma_semaphore, #tpu.memory_space<semaphore_mem>>)
      %dma_wait3A_157 = arith.constant 0 : i32
      %dma_wait3A_158 = arith.constant 0 : i32
      %dma_wait3A_159 = tpu.memref_slice %arg3[%add3A, %dma_wait3A_157, %dma_wait3A_158] : memref<32x79x128xi32, #tpu.memory_space<hbm>> -> memref<1x79x128xi32, #tpu.memory_space<hbm>>
      %dma_wait3A_160 = tpu.memref_squeeze %dma_wait3A_159 : memref<1x79x128xi32, #tpu.memory_space<hbm>> -> memref<79x128xi32, #tpu.memory_space<hbm>>
      %dma_wait3A_161 = arith.constant 0 : i32
      %dma_wait3A_162 = arith.constant 0 : i32
      %dma_wait3A_163 = tpu.memref_slice %arg3[%add3A, %dma_wait3A_161, %dma_wait3A_162] : memref<32x79x128xi32, #tpu.memory_space<hbm>> -> memref<1x79x128xi32, #tpu.memory_space<hbm>>
      %dma_wait3A_164 = tpu.memref_squeeze %dma_wait3A_163 : memref<1x79x128xi32, #tpu.memory_space<hbm>> -> memref<79x128xi32, #tpu.memory_space<hbm>>
      tpu.wait_dma2 semaphore(%run_scoped3A : memref<!tpu.dma_semaphore, #tpu.memory_space<semaphore_mem>>) src(%dma_wait3A_164 : memref<79x128xi32, #tpu.memory_space<hbm>>) dst(%arg6 : memref<79x128xi32, #tpu.memory_space<vmem>>)
      tpu.yield
    }) : () -> ()
    "tpu.region"() ({
      %run_scoped3A = tpu.sem_alloc : memref<!tpu.dma_semaphore, #tpu.memory_space<semaphore_mem>>
      %dma_start3A_149 = arith.constant 0 : i32
      %dma_start3A_150 = arith.constant 0 : i32
      %dma_start3A_151 = tpu.memref_slice %arg4[%add3A, %dma_start3A_149, %dma_start3A_150] : memref<32x79x128xi32, #tpu.memory_space<hbm>> -> memref<1x79x128xi32, #tpu.memory_space<hbm>>
      %dma_start3A_152 = tpu.memref_squeeze %dma_start3A_151 : memref<1x79x128xi32, #tpu.memory_space<hbm>> -> memref<79x128xi32, #tpu.memory_space<hbm>>
      %dma_start3A_153 = arith.constant 0 : i32
      %dma_start3A_154 = arith.constant 0 : i32
      %dma_start3A_155 = tpu.memref_slice %arg4[%add3A, %dma_start3A_153, %dma_start3A_154] : memref<32x79x128xi32, #tpu.memory_space<hbm>> -> memref<1x79x128xi32, #tpu.memory_space<hbm>>
      %dma_start3A_156 = tpu.memref_squeeze %dma_start3A_155 : memref<1x79x128xi32, #tpu.memory_space<hbm>> -> memref<79x128xi32, #tpu.memory_space<hbm>>
      tpu.enqueue_dma source(%dma_start3A_156 : memref<79x128xi32, #tpu.memory_space<hbm>>) target(%arg7 : memref<79x128xi32, #tpu.memory_space<vmem>>) target_semaphore(%run_scoped3A : memref<!tpu.dma_semaphore, #tpu.memory_space<semaphore_mem>>)
      %dma_wait3A_157 = arith.constant 0 : i32
      %dma_wait3A_158 = arith.constant 0 : i32
      %dma_wait3A_159 = tpu.memref_slice %arg4[%add3A, %dma_wait3A_157, %dma_wait3A_158] : memref<32x79x128xi32, #tpu.memory_space<hbm>> -> memref<1x79x128xi32, #tpu.memory_space<hbm>>
      %dma_wait3A_160 = tpu.memref_squeeze %dma_wait3A_159 : memref<1x79x128xi32, #tpu.memory_space<hbm>> -> memref<79x128xi32, #tpu.memory_space<hbm>>
      %dma_wait3A_161 = arith.constant 0 : i32
      %dma_wait3A_162 = arith.constant 0 : i32
      %dma_wait3A_163 = tpu.memref_slice %arg4[%add3A, %dma_wait3A_161, %dma_wait3A_162] : memref<32x79x128xi32, #tpu.memory_space<hbm>> -> memref<1x79x128xi32, #tpu.memory_space<hbm>>
      %dma_wait3A_164 = tpu.memref_squeeze %dma_wait3A_163 : memref<1x79x128xi32, #tpu.memory_space<hbm>> -> memref<79x128xi32, #tpu.memory_space<hbm>>
      tpu.wait_dma2 semaphore(%run_scoped3A : memref<!tpu.dma_semaphore, #tpu.memory_space<semaphore_mem>>) src(%dma_wait3A_164 : memref<79x128xi32, #tpu.memory_space<hbm>>) dst(%arg7 : memref<79x128xi32, #tpu.memory_space<vmem>>)
      tpu.yield
    }) : () -> ()
    %dma_wait3A = arith.constant 0 : i32
    %dma_wait3A_74 = arith.constant 0 : i32
    %dma_wait3A_75 = tpu.memref_slice %arg8[%dma_wait3A, %dma_wait3A_74] : memref<128x128xf32, #tpu.memory_space<vmem>> -> memref<128x128xf32, #tpu.memory_space<vmem>>
    %dma_wait3A_76 = arith.constant 0 : i32
    %dma_wait3A_77 = tpu.memref_slice %arg9[%add3A_8, %dma_wait3A_76] : memref<10112x128xf32, #tpu.memory_space<vmem_shared>> -> memref<128x128xf32, #tpu.memory_space<vmem_shared>>
    %dma_wait3A_78 = arith.constant 0 : i32
    %dma_wait3A_79 = tpu.memref_slice %arg9[%add3A_8, %dma_wait3A_78] : memref<10112x128xf32, #tpu.memory_space<vmem_shared>> -> memref<128x128xf32, #tpu.memory_space<vmem_shared>>
    %dma_wait3A_80 = arith.constant 0 : i32
    %dma_wait3A_81 = arith.constant 0 : i32
    %dma_wait3A_82 = tpu.memref_slice %arg8[%dma_wait3A_80, %dma_wait3A_81] : memref<128x128xf32, #tpu.memory_space<vmem>> -> memref<128x128xf32, #tpu.memory_space<vmem>>
    tpu.wait_dma2 semaphore(%arg10 : memref<!tpu.dma_semaphore, #tpu.memory_space<semaphore_mem>>) src(%dma_wait3A_82 : memref<128x128xf32, #tpu.memory_space<vmem>>) dst(%dma_wait3A_79 : memref<128x128xf32, #tpu.memory_space<vmem_shared>>)
    %dma_wait3A_83 = arith.constant 0 : i32
    %dma_wait3A_84 = arith.constant 0 : i32
    %dma_wait3A_85 = tpu.memref_slice %arg8[%dma_wait3A_83, %dma_wait3A_84] : memref<128x128xf32, #tpu.memory_space<vmem>> -> memref<128x128xf32, #tpu.memory_space<vmem>>
    %dma_wait3A_86 = arith.constant 0 : i32
    %dma_wait3A_87 = tpu.memref_slice %arg9[%add3A_21, %dma_wait3A_86] : memref<10112x128xf32, #tpu.memory_space<vmem_shared>> -> memref<128x128xf32, #tpu.memory_space<vmem_shared>>
    %dma_wait3A_88 = arith.constant 0 : i32
    %dma_wait3A_89 = tpu.memref_slice %arg9[%add3A_21, %dma_wait3A_88] : memref<10112x128xf32, #tpu.memory_space<vmem_shared>> -> memref<128x128xf32, #tpu.memory_space<vmem_shared>>
    %dma_wait3A_90 = arith.constant 0 : i32
    %dma_wait3A_91 = arith.constant 0 : i32
    %dma_wait3A_92 = tpu.memref_slice %arg8[%dma_wait3A_90, %dma_wait3A_91] : memref<128x128xf32, #tpu.memory_space<vmem>> -> memref<128x128xf32, #tpu.memory_space<vmem>>
    tpu.wait_dma2 semaphore(%arg10 : memref<!tpu.dma_semaphore, #tpu.memory_space<semaphore_mem>>) src(%dma_wait3A_92 : memref<128x128xf32, #tpu.memory_space<vmem>>) dst(%dma_wait3A_89 : memref<128x128xf32, #tpu.memory_space<vmem_shared>>)
    %dma_wait3A_93 = arith.constant 0 : i32
    %dma_wait3A_94 = arith.constant 0 : i32
    %dma_wait3A_95 = tpu.memref_slice %arg8[%dma_wait3A_93, %dma_wait3A_94] : memref<128x128xf32, #tpu.memory_space<vmem>> -> memref<128x128xf32, #tpu.memory_space<vmem>>
    %dma_wait3A_96 = arith.constant 0 : i32
    %dma_wait3A_97 = tpu.memref_slice %arg9[%add3A_35, %dma_wait3A_96] : memref<10112x128xf32, #tpu.memory_space<vmem_shared>> -> memref<128x128xf32, #tpu.memory_space<vmem_shared>>
    %dma_wait3A_98 = arith.constant 0 : i32
    %dma_wait3A_99 = tpu.memref_slice %arg9[%add3A_35, %dma_wait3A_98] : memref<10112x128xf32, #tpu.memory_space<vmem_shared>> -> memref<128x128xf32, #tpu.memory_space<vmem_shared>>
    %dma_wait3A_100 = arith.constant 0 : i32
    %dma_wait3A_101 = arith.constant 0 : i32
    %dma_wait3A_102 = tpu.memref_slice %arg8[%dma_wait3A_100, %dma_wait3A_101] : memref<128x128xf32, #tpu.memory_space<vmem>> -> memref<128x128xf32, #tpu.memory_space<vmem>>
    tpu.wait_dma2 semaphore(%arg10 : memref<!tpu.dma_semaphore, #tpu.memory_space<semaphore_mem>>) src(%dma_wait3A_102 : memref<128x128xf32, #tpu.memory_space<vmem>>) dst(%dma_wait3A_99 : memref<128x128xf32, #tpu.memory_space<vmem_shared>>)
    %dma_wait3A_103 = arith.constant 0 : i32
    %dma_wait3A_104 = arith.constant 0 : i32
    %dma_wait3A_105 = tpu.memref_slice %arg8[%dma_wait3A_103, %dma_wait3A_104] : memref<128x128xf32, #tpu.memory_space<vmem>> -> memref<128x128xf32, #tpu.memory_space<vmem>>
    %dma_wait3A_106 = arith.constant 0 : i32
    %dma_wait3A_107 = tpu.memref_slice %arg9[%add3A_49, %dma_wait3A_106] : memref<10112x128xf32, #tpu.memory_space<vmem_shared>> -> memref<128x128xf32, #tpu.memory_space<vmem_shared>>
    %dma_wait3A_108 = arith.constant 0 : i32
    %dma_wait3A_109 = tpu.memref_slice %arg9[%add3A_49, %dma_wait3A_108] : memref<10112x128xf32, #tpu.memory_space<vmem_shared>> -> memref<128x128xf32, #tpu.memory_space<vmem_shared>>
    %dma_wait3A_110 = arith.constant 0 : i32
    %dma_wait3A_111 = arith.constant 0 : i32
    %dma_wait3A_112 = tpu.memref_slice %arg8[%dma_wait3A_110, %dma_wait3A_111] : memref<128x128xf32, #tpu.memory_space<vmem>> -> memref<128x128xf32, #tpu.memory_space<vmem>>
    tpu.wait_dma2 semaphore(%arg10 : memref<!tpu.dma_semaphore, #tpu.memory_space<semaphore_mem>>) src(%dma_wait3A_112 : memref<128x128xf32, #tpu.memory_space<vmem>>) dst(%dma_wait3A_109 : memref<128x128xf32, #tpu.memory_space<vmem_shared>>)
    %dma_wait3A_113 = arith.constant 0 : i32
    %dma_wait3A_114 = arith.constant 0 : i32
    %dma_wait3A_115 = tpu.memref_slice %arg8[%dma_wait3A_113, %dma_wait3A_114] : memref<128x128xf32, #tpu.memory_space<vmem>> -> memref<120x128xf32, #tpu.memory_space<vmem>>
    %dma_wait3A_116 = arith.constant 0 : i32
    %dma_wait3A_117 = tpu.memref_slice %arg9[%add3A_63, %dma_wait3A_116] : memref<10112x128xf32, #tpu.memory_space<vmem_shared>> -> memref<120x128xf32, #tpu.memory_space<vmem_shared>>
    %dma_wait3A_118 = arith.constant 0 : i32
    %dma_wait3A_119 = tpu.memref_slice %arg9[%add3A_63, %dma_wait3A_118] : memref<10112x128xf32, #tpu.memory_space<vmem_shared>> -> memref<120x128xf32, #tpu.memory_space<vmem_shared>>
    %dma_wait3A_120 = arith.constant 0 : i32
    %dma_wait3A_121 = arith.constant 0 : i32
    %dma_wait3A_122 = tpu.memref_slice %arg8[%dma_wait3A_120, %dma_wait3A_121] : memref<128x128xf32, #tpu.memory_space<vmem>> -> memref<120x128xf32, #tpu.memory_space<vmem>>
    tpu.wait_dma2 semaphore(%arg10 : memref<!tpu.dma_semaphore, #tpu.memory_space<semaphore_mem>>) src(%dma_wait3A_122 : memref<120x128xf32, #tpu.memory_space<vmem>>) dst(%dma_wait3A_119 : memref<120x128xf32, #tpu.memory_space<vmem_shared>>)
    %barrier3A = arith.constant 0 : index
    tpu.barrier barrier_id(%barrier3A)
    %scan3A_123 = arith.constant 0 : i32
    %scan3A_124 = arith.constant 79 : i32
    %scan3A_125 = arith.addi %scan3A_123, %scan3A_124 : i32
    %scan3A_126 = arith.constant 1 : i32
    scf.for %scan3A_149 = %scan3A_123 to %scan3A_125 step %scan3A_126  : i32 {
      %dma_start3A_150 = arith.constant 0 : i32
      %dma_start3A_151 = tpu.memref_slice %arg6[%scan3A_149, %dma_start3A_150] : memref<79x128xi32, #tpu.memory_space<vmem>> -> memref<1x128xi32, #tpu.memory_space<vmem>>
      %dma_start3A_152 = tpu.memref_squeeze %dma_start3A_151 : memref<1x128xi32, #tpu.memory_space<vmem>> -> memref<128xi32, #tpu.memory_space<vmem>>
      %dma_start3A_153 = arith.constant 0 : i32
      %dma_start3A_154 = arith.constant 0 : i32
      %dma_start3A_155 = tpu.memref_slice %arg2[%dma_start3A_153, %dma_start3A_154] : memref<10000x128xf32, #tpu.memory_space<hbm>> -> memref<10000x128xf32, #tpu.memory_space<hbm>>
      tpu.enqueue_indirect_dma source(%dma_start3A_155 : memref<10000x128xf32, #tpu.memory_space<hbm>>) target(%arg8 : memref<128x128xf32, #tpu.memory_space<vmem>>) offsets(%dma_start3A_152 : memref<128xi32, #tpu.memory_space<vmem>>) semaphore(%arg10 : memref<!tpu.dma_semaphore, #tpu.memory_space<semaphore_mem>>)
      %dma_wait3A_156 = arith.constant 0 : i32
      %dma_wait3A_157 = tpu.memref_slice %arg6[%scan3A_149, %dma_wait3A_156] : memref<79x128xi32, #tpu.memory_space<vmem>> -> memref<1x128xi32, #tpu.memory_space<vmem>>
      %dma_wait3A_158 = tpu.memref_squeeze %dma_wait3A_157 : memref<1x128xi32, #tpu.memory_space<vmem>> -> memref<128xi32, #tpu.memory_space<vmem>>
      %dma_wait3A_159 = arith.constant 0 : i32
      %dma_wait3A_160 = arith.constant 0 : i32
      %dma_wait3A_161 = tpu.memref_slice %arg2[%dma_wait3A_159, %dma_wait3A_160] : memref<10000x128xf32, #tpu.memory_space<hbm>> -> memref<10000x128xf32, #tpu.memory_space<hbm>>
      tpu.wait_indirect_dma semaphore(%arg10 : memref<!tpu.dma_semaphore, #tpu.memory_space<semaphore_mem>>) src(%dma_wait3A_161 : memref<10000x128xf32, #tpu.memory_space<hbm>>) dst(%arg8 : memref<128x128xf32, #tpu.memory_space<vmem>>)
      "tpu.region"() ({
        %run_scoped3A = tpu.sem_alloc : memref<!tpu.dma_semaphore, #tpu.memory_space<semaphore_mem>>
        %dma_start3A_162 = arith.constant 0 : i32
        %dma_start3A_163 = tpu.memref_slice %arg7[%scan3A_149, %dma_start3A_162] : memref<79x128xi32, #tpu.memory_space<vmem>> -> memref<1x128xi32, #tpu.memory_space<vmem>>
        %dma_start3A_164 = tpu.memref_squeeze %dma_start3A_163 : memref<1x128xi32, #tpu.memory_space<vmem>> -> memref<128xi32, #tpu.memory_space<vmem>>
        %dma_start3A_165 = arith.constant 0 : i32
        %dma_start3A_166 = arith.constant 0 : i32
        %dma_start3A_167 = tpu.memref_slice %arg9[%dma_start3A_165, %dma_start3A_166] : memref<10112x128xf32, #tpu.memory_space<vmem_shared>> -> memref<10112x128xf32, #tpu.memory_space<vmem_shared>>
        tpu.enqueue_indirect_dma source(%arg8 : memref<128x128xf32, #tpu.memory_space<vmem>>) target(%dma_start3A_167 : memref<10112x128xf32, #tpu.memory_space<vmem_shared>>) offsets(%dma_start3A_164 : memref<128xi32, #tpu.memory_space<vmem>>) semaphore(%run_scoped3A : memref<!tpu.dma_semaphore, #tpu.memory_space<semaphore_mem>>) {add = true}
        %dma_wait3A_168 = arith.constant 0 : i32
        %dma_wait3A_169 = tpu.memref_slice %arg7[%scan3A_149, %dma_wait3A_168] : memref<79x128xi32, #tpu.memory_space<vmem>> -> memref<1x128xi32, #tpu.memory_space<vmem>>
        %dma_wait3A_170 = tpu.memref_squeeze %dma_wait3A_169 : memref<1x128xi32, #tpu.memory_space<vmem>> -> memref<128xi32, #tpu.memory_space<vmem>>
        %dma_wait3A_171 = arith.constant 0 : i32
        %dma_wait3A_172 = arith.constant 0 : i32
        %dma_wait3A_173 = tpu.memref_slice %arg9[%dma_wait3A_171, %dma_wait3A_172] : memref<10112x128xf32, #tpu.memory_space<vmem_shared>> -> memref<10112x128xf32, #tpu.memory_space<vmem_shared>>
        tpu.wait_indirect_dma semaphore(%run_scoped3A : memref<!tpu.dma_semaphore, #tpu.memory_space<semaphore_mem>>) src(%arg8 : memref<128x128xf32, #tpu.memory_space<vmem>>) dst(%dma_wait3A_173 : memref<10112x128xf32, #tpu.memory_space<vmem_shared>>)
        tpu.yield
      }) : () -> ()
    }
    %scan3A_127 = arith.constant 79 : i32
    %barrier3A_128 = arith.constant 0 : index
    tpu.barrier barrier_id(%barrier3A_128)
    %mul3A_129 = arith.constant 632 : i32
    %mul3A_130 = arith.muli %arg1, %mul3A_129 : i32
    %add3A_131 = arith.constant 0 : i32
    %add3A_132 = arith.addi %mul3A_130, %add3A_131 : i32
    "tpu.region"() ({
      %run_scoped3A = tpu.sem_alloc : memref<!tpu.dma_semaphore, #tpu.memory_space<semaphore_mem>>
      %dma_start3A_149 = arith.constant 0 : i32
      %dma_start3A_150 = arith.constant 0 : i32
      %dma_start3A_151 = tpu.memref_slice %arg8[%dma_start3A_149, %dma_start3A_150] : memref<128x128xf32, #tpu.memory_space<vmem>> -> memref<128x128xf32, #tpu.memory_space<vmem>>
      %dma_start3A_152 = arith.constant 0 : i32
      %dma_start3A_153 = tpu.memref_slice %arg9[%add3A_132, %dma_start3A_152] : memref<10112x128xf32, #tpu.memory_space<vmem_shared>> -> memref<128x128xf32, #tpu.memory_space<vmem_shared>>
      %dma_start3A_154 = arith.constant 0 : i32
      %dma_start3A_155 = arith.constant 0 : i32
      %dma_start3A_156 = tpu.memref_slice %arg8[%dma_start3A_154, %dma_start3A_155] : memref<128x128xf32, #tpu.memory_space<vmem>> -> memref<128x128xf32, #tpu.memory_space<vmem>>
      %dma_start3A_157 = arith.constant 0 : i32
      %dma_start3A_158 = tpu.memref_slice %arg9[%add3A_132, %dma_start3A_157] : memref<10112x128xf32, #tpu.memory_space<vmem_shared>> -> memref<128x128xf32, #tpu.memory_space<vmem_shared>>
      tpu.enqueue_dma source(%dma_start3A_158 : memref<128x128xf32, #tpu.memory_space<vmem_shared>>) target(%dma_start3A_156 : memref<128x128xf32, #tpu.memory_space<vmem>>) target_semaphore(%run_scoped3A : memref<!tpu.dma_semaphore, #tpu.memory_space<semaphore_mem>>)
      %dma_wait3A_159 = arith.constant 0 : i32
      %dma_wait3A_160 = arith.constant 0 : i32
      %dma_wait3A_161 = tpu.memref_slice %arg8[%dma_wait3A_159, %dma_wait3A_160] : memref<128x128xf32, #tpu.memory_space<vmem>> -> memref<128x128xf32, #tpu.memory_space<vmem>>
      %dma_wait3A_162 = arith.constant 0 : i32
      %dma_wait3A_163 = tpu.memref_slice %arg9[%add3A_132, %dma_wait3A_162] : memref<10112x128xf32, #tpu.memory_space<vmem_shared>> -> memref<128x128xf32, #tpu.memory_space<vmem_shared>>
      %dma_wait3A_164 = arith.constant 0 : i32
      %dma_wait3A_165 = arith.constant 0 : i32
      %dma_wait3A_166 = tpu.memref_slice %arg8[%dma_wait3A_164, %dma_wait3A_165] : memref<128x128xf32, #tpu.memory_space<vmem>> -> memref<128x128xf32, #tpu.memory_space<vmem>>
      %dma_wait3A_167 = arith.constant 0 : i32
      %dma_wait3A_168 = tpu.memref_slice %arg9[%add3A_132, %dma_wait3A_167] : memref<10112x128xf32, #tpu.memory_space<vmem_shared>> -> memref<128x128xf32, #tpu.memory_space<vmem_shared>>
      tpu.wait_dma2 semaphore(%run_scoped3A : memref<!tpu.dma_semaphore, #tpu.memory_space<semaphore_mem>>) src(%dma_wait3A_168 : memref<128x128xf32, #tpu.memory_space<vmem_shared>>) dst(%dma_wait3A_166 : memref<128x128xf32, #tpu.memory_space<vmem>>)
      tpu.yield
    }) : () -> ()
    "tpu.region"() ({
      %run_scoped3A = tpu.sem_alloc : memref<!tpu.dma_semaphore, #tpu.memory_space<semaphore_mem>>
      %dma_start3A_149 = arith.constant 0 : i32
      %dma_start3A_150 = arith.constant 0 : i32
      %dma_start3A_151 = tpu.memref_slice %arg8[%dma_start3A_149, %dma_start3A_150] : memref<128x128xf32, #tpu.memory_space<vmem>> -> memref<128x128xf32, #tpu.memory_space<vmem>>
      %dma_start3A_152 = arith.constant 0 : i32
      %dma_start3A_153 = arith.constant 0 : i32
      %dma_start3A_154 = tpu.memref_slice %arg5[%arg0, %dma_start3A_152, %dma_start3A_153] : memref<2x10112x128xf32, #tpu.memory_space<hbm>> -> memref<1x10112x128xf32, #tpu.memory_space<hbm>>
      %dma_start3A_155 = tpu.memref_squeeze %dma_start3A_154 : memref<1x10112x128xf32, #tpu.memory_space<hbm>> -> memref<10112x128xf32, #tpu.memory_space<hbm>>
      %dma_start3A_156 = arith.constant 0 : i32
      %dma_start3A_157 = tpu.memref_slice %dma_start3A_155[%add3A_132, %dma_start3A_156] : memref<10112x128xf32, #tpu.memory_space<hbm>> -> memref<128x128xf32, #tpu.memory_space<hbm>>
      %dma_start3A_158 = arith.constant 0 : i32
      %dma_start3A_159 = arith.constant 0 : i32
      %dma_start3A_160 = tpu.memref_slice %arg5[%arg0, %dma_start3A_158, %dma_start3A_159] : memref<2x10112x128xf32, #tpu.memory_space<hbm>> -> memref<1x10112x128xf32, #tpu.memory_space<hbm>>
      %dma_start3A_161 = tpu.memref_squeeze %dma_start3A_160 : memref<1x10112x128xf32, #tpu.memory_space<hbm>> -> memref<10112x128xf32, #tpu.memory_space<hbm>>
      %dma_start3A_162 = arith.constant 0 : i32
      %dma_start3A_163 = tpu.memref_slice %dma_start3A_161[%add3A_132, %dma_start3A_162] : memref<10112x128xf32, #tpu.memory_space<hbm>> -> memref<128x128xf32, #tpu.memory_space<hbm>>
      %dma_start3A_164 = arith.constant 0 : i32
      %dma_start3A_165 = arith.constant 0 : i32
      %dma_start3A_166 = tpu.memref_slice %arg8[%dma_start3A_164, %dma_start3A_165] : memref<128x128xf32, #tpu.memory_space<vmem>> -> memref<128x128xf32, #tpu.memory_space<vmem>>
      tpu.enqueue_dma source(%dma_start3A_166 : memref<128x128xf32, #tpu.memory_space<vmem>>) target(%dma_start3A_163 : memref<128x128xf32, #tpu.memory_space<hbm>>) target_semaphore(%run_scoped3A : memref<!tpu.dma_semaphore, #tpu.memory_space<semaphore_mem>>)
      %dma_wait3A_167 = arith.constant 0 : i32
      %dma_wait3A_168 = arith.constant 0 : i32
      %dma_wait3A_169 = tpu.memref_slice %arg8[%dma_wait3A_167, %dma_wait3A_168] : memref<128x128xf32, #tpu.memory_space<vmem>> -> memref<128x128xf32, #tpu.memory_space<vmem>>
      %dma_wait3A_170 = arith.constant 0 : i32
      %dma_wait3A_171 = arith.constant 0 : i32
      %dma_wait3A_172 = tpu.memref_slice %arg5[%arg0, %dma_wait3A_170, %dma_wait3A_171] : memref<2x10112x128xf32, #tpu.memory_space<hbm>> -> memref<1x10112x128xf32, #tpu.memory_space<hbm>>
      %dma_wait3A_173 = tpu.memref_squeeze %dma_wait3A_172 : memref<1x10112x128xf32, #tpu.memory_space<hbm>> -> memref<10112x128xf32, #tpu.memory_space<hbm>>
      %dma_wait3A_174 = arith.constant 0 : i32
      %dma_wait3A_175 = tpu.memref_slice %dma_wait3A_173[%add3A_132, %dma_wait3A_174] : memref<10112x128xf32, #tpu.memory_space<hbm>> -> memref<128x128xf32, #tpu.memory_space<hbm>>
      %dma_wait3A_176 = arith.constant 0 : i32
      %dma_wait3A_177 = arith.constant 0 : i32
      %dma_wait3A_178 = tpu.memref_slice %arg5[%arg0, %dma_wait3A_176, %dma_wait3A_177] : memref<2x10112x128xf32, #tpu.memory_space<hbm>> -> memref<1x10112x128xf32, #tpu.memory_space<hbm>>
      %dma_wait3A_179 = tpu.memref_squeeze %dma_wait3A_178 : memref<1x10112x128xf32, #tpu.memory_space<hbm>> -> memref<10112x128xf32, #tpu.memory_space<hbm>>
      %dma_wait3A_180 = arith.constant 0 : i32
      %dma_wait3A_181 = tpu.memref_slice %dma_wait3A_179[%add3A_132, %dma_wait3A_180] : memref<10112x128xf32, #tpu.memory_space<hbm>> -> memref<128x128xf32, #tpu.memory_space<hbm>>
      %dma_wait3A_182 = arith.constant 0 : i32
      %dma_wait3A_183 = arith.constant 0 : i32
      %dma_wait3A_184 = tpu.memref_slice %arg8[%dma_wait3A_182, %dma_wait3A_183] : memref<128x128xf32, #tpu.memory_space<vmem>> -> memref<128x128xf32, #tpu.memory_space<vmem>>
      tpu.wait_dma2 semaphore(%run_scoped3A : memref<!tpu.dma_semaphore, #tpu.memory_space<semaphore_mem>>) src(%dma_wait3A_184 : memref<128x128xf32, #tpu.memory_space<vmem>>) dst(%dma_wait3A_181 : memref<128x128xf32, #tpu.memory_space<hbm>>)
      tpu.yield
    }) : () -> ()
    %mul3A_133 = arith.constant 632 : i32
    %mul3A_134 = arith.muli %arg1, %mul3A_133 : i32
    %add3A_135 = arith.constant 128 : i32
    %add3A_136 = arith.addi %mul3A_134, %add3A_135 : i32
    "tpu.region"() ({
      %run_scoped3A = tpu.sem_alloc : memref<!tpu.dma_semaphore, #tpu.memory_space<semaphore_mem>>
      %dma_start3A_149 = arith.constant 0 : i32
      %dma_start3A_150 = arith.constant 0 : i32
      %dma_start3A_151 = tpu.memref_slice %arg8[%dma_start3A_149, %dma_start3A_150] : memref<128x128xf32, #tpu.memory_space<vmem>> -> memref<128x128xf32, #tpu.memory_space<vmem>>
      %dma_start3A_152 = arith.constant 0 : i32
      %dma_start3A_153 = tpu.memref_slice %arg9[%add3A_136, %dma_start3A_152] : memref<10112x128xf32, #tpu.memory_space<vmem_shared>> -> memref<128x128xf32, #tpu.memory_space<vmem_shared>>
      %dma_start3A_154 = arith.constant 0 : i32
      %dma_start3A_155 = arith.constant 0 : i32
      %dma_start3A_156 = tpu.memref_slice %arg8[%dma_start3A_154, %dma_start3A_155] : memref<128x128xf32, #tpu.memory_space<vmem>> -> memref<128x128xf32, #tpu.memory_space<vmem>>
      %dma_start3A_157 = arith.constant 0 : i32
      %dma_start3A_158 = tpu.memref_slice %arg9[%add3A_136, %dma_start3A_157] : memref<10112x128xf32, #tpu.memory_space<vmem_shared>> -> memref<128x128xf32, #tpu.memory_space<vmem_shared>>
      tpu.enqueue_dma source(%dma_start3A_158 : memref<128x128xf32, #tpu.memory_space<vmem_shared>>) target(%dma_start3A_156 : memref<128x128xf32, #tpu.memory_space<vmem>>) target_semaphore(%run_scoped3A : memref<!tpu.dma_semaphore, #tpu.memory_space<semaphore_mem>>)
      %dma_wait3A_159 = arith.constant 0 : i32
      %dma_wait3A_160 = arith.constant 0 : i32
      %dma_wait3A_161 = tpu.memref_slice %arg8[%dma_wait3A_159, %dma_wait3A_160] : memref<128x128xf32, #tpu.memory_space<vmem>> -> memref<128x128xf32, #tpu.memory_space<vmem>>
      %dma_wait3A_162 = arith.constant 0 : i32
      %dma_wait3A_163 = tpu.memref_slice %arg9[%add3A_136, %dma_wait3A_162] : memref<10112x128xf32, #tpu.memory_space<vmem_shared>> -> memref<128x128xf32, #tpu.memory_space<vmem_shared>>
      %dma_wait3A_164 = arith.constant 0 : i32
      %dma_wait3A_165 = arith.constant 0 : i32
      %dma_wait3A_166 = tpu.memref_slice %arg8[%dma_wait3A_164, %dma_wait3A_165] : memref<128x128xf32, #tpu.memory_space<vmem>> -> memref<128x128xf32, #tpu.memory_space<vmem>>
      %dma_wait3A_167 = arith.constant 0 : i32
      %dma_wait3A_168 = tpu.memref_slice %arg9[%add3A_136, %dma_wait3A_167] : memref<10112x128xf32, #tpu.memory_space<vmem_shared>> -> memref<128x128xf32, #tpu.memory_space<vmem_shared>>
      tpu.wait_dma2 semaphore(%run_scoped3A : memref<!tpu.dma_semaphore, #tpu.memory_space<semaphore_mem>>) src(%dma_wait3A_168 : memref<128x128xf32, #tpu.memory_space<vmem_shared>>) dst(%dma_wait3A_166 : memref<128x128xf32, #tpu.memory_space<vmem>>)
      tpu.yield
    }) : () -> ()
    "tpu.region"() ({
      %run_scoped3A = tpu.sem_alloc : memref<!tpu.dma_semaphore, #tpu.memory_space<semaphore_mem>>
      %dma_start3A_149 = arith.constant 0 : i32
      %dma_start3A_150 = arith.constant 0 : i32
      %dma_start3A_151 = tpu.memref_slice %arg8[%dma_start3A_149, %dma_start3A_150] : memref<128x128xf32, #tpu.memory_space<vmem>> -> memref<128x128xf32, #tpu.memory_space<vmem>>
      %dma_start3A_152 = arith.constant 0 : i32
      %dma_start3A_153 = arith.constant 0 : i32
      %dma_start3A_154 = tpu.memref_slice %arg5[%arg0, %dma_start3A_152, %dma_start3A_153] : memref<2x10112x128xf32, #tpu.memory_space<hbm>> -> memref<1x10112x128xf32, #tpu.memory_space<hbm>>
      %dma_start3A_155 = tpu.memref_squeeze %dma_start3A_154 : memref<1x10112x128xf32, #tpu.memory_space<hbm>> -> memref<10112x128xf32, #tpu.memory_space<hbm>>
      %dma_start3A_156 = arith.constant 0 : i32
      %dma_start3A_157 = tpu.memref_slice %dma_start3A_155[%add3A_136, %dma_start3A_156] : memref<10112x128xf32, #tpu.memory_space<hbm>> -> memref<128x128xf32, #tpu.memory_space<hbm>>
      %dma_start3A_158 = arith.constant 0 : i32
      %dma_start3A_159 = arith.constant 0 : i32
      %dma_start3A_160 = tpu.memref_slice %arg5[%arg0, %dma_start3A_158, %dma_start3A_159] : memref<2x10112x128xf32, #tpu.memory_space<hbm>> -> memref<1x10112x128xf32, #tpu.memory_space<hbm>>
      %dma_start3A_161 = tpu.memref_squeeze %dma_start3A_160 : memref<1x10112x128xf32, #tpu.memory_space<hbm>> -> memref<10112x128xf32, #tpu.memory_space<hbm>>
      %dma_start3A_162 = arith.constant 0 : i32
      %dma_start3A_163 = tpu.memref_slice %dma_start3A_161[%add3A_136, %dma_start3A_162] : memref<10112x128xf32, #tpu.memory_space<hbm>> -> memref<128x128xf32, #tpu.memory_space<hbm>>
      %dma_start3A_164 = arith.constant 0 : i32
      %dma_start3A_165 = arith.constant 0 : i32
      %dma_start3A_166 = tpu.memref_slice %arg8[%dma_start3A_164, %dma_start3A_165] : memref<128x128xf32, #tpu.memory_space<vmem>> -> memref<128x128xf32, #tpu.memory_space<vmem>>
      tpu.enqueue_dma source(%dma_start3A_166 : memref<128x128xf32, #tpu.memory_space<vmem>>) target(%dma_start3A_163 : memref<128x128xf32, #tpu.memory_space<hbm>>) target_semaphore(%run_scoped3A : memref<!tpu.dma_semaphore, #tpu.memory_space<semaphore_mem>>)
      %dma_wait3A_167 = arith.constant 0 : i32
      %dma_wait3A_168 = arith.constant 0 : i32
      %dma_wait3A_169 = tpu.memref_slice %arg8[%dma_wait3A_167, %dma_wait3A_168] : memref<128x128xf32, #tpu.memory_space<vmem>> -> memref<128x128xf32, #tpu.memory_space<vmem>>
      %dma_wait3A_170 = arith.constant 0 : i32
      %dma_wait3A_171 = arith.constant 0 : i32
      %dma_wait3A_172 = tpu.memref_slice %arg5[%arg0, %dma_wait3A_170, %dma_wait3A_171] : memref<2x10112x128xf32, #tpu.memory_space<hbm>> -> memref<1x10112x128xf32, #tpu.memory_space<hbm>>
      %dma_wait3A_173 = tpu.memref_squeeze %dma_wait3A_172 : memref<1x10112x128xf32, #tpu.memory_space<hbm>> -> memref<10112x128xf32, #tpu.memory_space<hbm>>
      %dma_wait3A_174 = arith.constant 0 : i32
      %dma_wait3A_175 = tpu.memref_slice %dma_wait3A_173[%add3A_136, %dma_wait3A_174] : memref<10112x128xf32, #tpu.memory_space<hbm>> -> memref<128x128xf32, #tpu.memory_space<hbm>>
      %dma_wait3A_176 = arith.constant 0 : i32
      %dma_wait3A_177 = arith.constant 0 : i32
      %dma_wait3A_178 = tpu.memref_slice %arg5[%arg0, %dma_wait3A_176, %dma_wait3A_177] : memref<2x10112x128xf32, #tpu.memory_space<hbm>> -> memref<1x10112x128xf32, #tpu.memory_space<hbm>>
      %dma_wait3A_179 = tpu.memref_squeeze %dma_wait3A_178 : memref<1x10112x128xf32, #tpu.memory_space<hbm>> -> memref<10112x128xf32, #tpu.memory_space<hbm>>
      %dma_wait3A_180 = arith.constant 0 : i32
      %dma_wait3A_181 = tpu.memref_slice %dma_wait3A_179[%add3A_136, %dma_wait3A_180] : memref<10112x128xf32, #tpu.memory_space<hbm>> -> memref<128x128xf32, #tpu.memory_space<hbm>>
      %dma_wait3A_182 = arith.constant 0 : i32
      %dma_wait3A_183 = arith.constant 0 : i32
      %dma_wait3A_184 = tpu.memref_slice %arg8[%dma_wait3A_182, %dma_wait3A_183] : memref<128x128xf32, #tpu.memory_space<vmem>> -> memref<128x128xf32, #tpu.memory_space<vmem>>
      tpu.wait_dma2 semaphore(%run_scoped3A : memref<!tpu.dma_semaphore, #tpu.memory_space<semaphore_mem>>) src(%dma_wait3A_184 : memref<128x128xf32, #tpu.memory_space<vmem>>) dst(%dma_wait3A_181 : memref<128x128xf32, #tpu.memory_space<hbm>>)
      tpu.yield
    }) : () -> ()
    %mul3A_137 = arith.constant 632 : i32
    %mul3A_138 = arith.muli %arg1, %mul3A_137 : i32
    %add3A_139 = arith.constant 256 : i32
    %add3A_140 = arith.addi %mul3A_138, %add3A_139 : i32
    "tpu.region"() ({
      %run_scoped3A = tpu.sem_alloc : memref<!tpu.dma_semaphore, #tpu.memory_space<semaphore_mem>>
      %dma_start3A_149 = arith.constant 0 : i32
      %dma_start3A_150 = arith.constant 0 : i32
      %dma_start3A_151 = tpu.memref_slice %arg8[%dma_start3A_149, %dma_start3A_150] : memref<128x128xf32, #tpu.memory_space<vmem>> -> memref<128x128xf32, #tpu.memory_space<vmem>>
      %dma_start3A_152 = arith.constant 0 : i32
      %dma_start3A_153 = tpu.memref_slice %arg9[%add3A_140, %dma_start3A_152] : memref<10112x128xf32, #tpu.memory_space<vmem_shared>> -> memref<128x128xf32, #tpu.memory_space<vmem_shared>>
      %dma_start3A_154 = arith.constant 0 : i32
      %dma_start3A_155 = arith.constant 0 : i32
      %dma_start3A_156 = tpu.memref_slice %arg8[%dma_start3A_154, %dma_start3A_155] : memref<128x128xf32, #tpu.memory_space<vmem>> -> memref<128x128xf32, #tpu.memory_space<vmem>>
      %dma_start3A_157 = arith.constant 0 : i32
      %dma_start3A_158 = tpu.memref_slice %arg9[%add3A_140, %dma_start3A_157] : memref<10112x128xf32, #tpu.memory_space<vmem_shared>> -> memref<128x128xf32, #tpu.memory_space<vmem_shared>>
      tpu.enqueue_dma source(%dma_start3A_158 : memref<128x128xf32, #tpu.memory_space<vmem_shared>>) target(%dma_start3A_156 : memref<128x128xf32, #tpu.memory_space<vmem>>) target_semaphore(%run_scoped3A : memref<!tpu.dma_semaphore, #tpu.memory_space<semaphore_mem>>)
      %dma_wait3A_159 = arith.constant 0 : i32
      %dma_wait3A_160 = arith.constant 0 : i32
      %dma_wait3A_161 = tpu.memref_slice %arg8[%dma_wait3A_159, %dma_wait3A_160] : memref<128x128xf32, #tpu.memory_space<vmem>> -> memref<128x128xf32, #tpu.memory_space<vmem>>
      %dma_wait3A_162 = arith.constant 0 : i32
      %dma_wait3A_163 = tpu.memref_slice %arg9[%add3A_140, %dma_wait3A_162] : memref<10112x128xf32, #tpu.memory_space<vmem_shared>> -> memref<128x128xf32, #tpu.memory_space<vmem_shared>>
      %dma_wait3A_164 = arith.constant 0 : i32
      %dma_wait3A_165 = arith.constant 0 : i32
      %dma_wait3A_166 = tpu.memref_slice %arg8[%dma_wait3A_164, %dma_wait3A_165] : memref<128x128xf32, #tpu.memory_space<vmem>> -> memref<128x128xf32, #tpu.memory_space<vmem>>
      %dma_wait3A_167 = arith.constant 0 : i32
      %dma_wait3A_168 = tpu.memref_slice %arg9[%add3A_140, %dma_wait3A_167] : memref<10112x128xf32, #tpu.memory_space<vmem_shared>> -> memref<128x128xf32, #tpu.memory_space<vmem_shared>>
      tpu.wait_dma2 semaphore(%run_scoped3A : memref<!tpu.dma_semaphore, #tpu.memory_space<semaphore_mem>>) src(%dma_wait3A_168 : memref<128x128xf32, #tpu.memory_space<vmem_shared>>) dst(%dma_wait3A_166 : memref<128x128xf32, #tpu.memory_space<vmem>>)
      tpu.yield
    }) : () -> ()
    "tpu.region"() ({
      %run_scoped3A = tpu.sem_alloc : memref<!tpu.dma_semaphore, #tpu.memory_space<semaphore_mem>>
      %dma_start3A_149 = arith.constant 0 : i32
      %dma_start3A_150 = arith.constant 0 : i32
      %dma_start3A_151 = tpu.memref_slice %arg8[%dma_start3A_149, %dma_start3A_150] : memref<128x128xf32, #tpu.memory_space<vmem>> -> memref<128x128xf32, #tpu.memory_space<vmem>>
      %dma_start3A_152 = arith.constant 0 : i32
      %dma_start3A_153 = arith.constant 0 : i32
      %dma_start3A_154 = tpu.memref_slice %arg5[%arg0, %dma_start3A_152, %dma_start3A_153] : memref<2x10112x128xf32, #tpu.memory_space<hbm>> -> memref<1x10112x128xf32, #tpu.memory_space<hbm>>
      %dma_start3A_155 = tpu.memref_squeeze %dma_start3A_154 : memref<1x10112x128xf32, #tpu.memory_space<hbm>> -> memref<10112x128xf32, #tpu.memory_space<hbm>>
      %dma_start3A_156 = arith.constant 0 : i32
      %dma_start3A_157 = tpu.memref_slice %dma_start3A_155[%add3A_140, %dma_start3A_156] : memref<10112x128xf32, #tpu.memory_space<hbm>> -> memref<128x128xf32, #tpu.memory_space<hbm>>
      %dma_start3A_158 = arith.constant 0 : i32
      %dma_start3A_159 = arith.constant 0 : i32
      %dma_start3A_160 = tpu.memref_slice %arg5[%arg0, %dma_start3A_158, %dma_start3A_159] : memref<2x10112x128xf32, #tpu.memory_space<hbm>> -> memref<1x10112x128xf32, #tpu.memory_space<hbm>>
      %dma_start3A_161 = tpu.memref_squeeze %dma_start3A_160 : memref<1x10112x128xf32, #tpu.memory_space<hbm>> -> memref<10112x128xf32, #tpu.memory_space<hbm>>
      %dma_start3A_162 = arith.constant 0 : i32
      %dma_start3A_163 = tpu.memref_slice %dma_start3A_161[%add3A_140, %dma_start3A_162] : memref<10112x128xf32, #tpu.memory_space<hbm>> -> memref<128x128xf32, #tpu.memory_space<hbm>>
      %dma_start3A_164 = arith.constant 0 : i32
      %dma_start3A_165 = arith.constant 0 : i32
      %dma_start3A_166 = tpu.memref_slice %arg8[%dma_start3A_164, %dma_start3A_165] : memref<128x128xf32, #tpu.memory_space<vmem>> -> memref<128x128xf32, #tpu.memory_space<vmem>>
      tpu.enqueue_dma source(%dma_start3A_166 : memref<128x128xf32, #tpu.memory_space<vmem>>) target(%dma_start3A_163 : memref<128x128xf32, #tpu.memory_space<hbm>>) target_semaphore(%run_scoped3A : memref<!tpu.dma_semaphore, #tpu.memory_space<semaphore_mem>>)
      %dma_wait3A_167 = arith.constant 0 : i32
      %dma_wait3A_168 = arith.constant 0 : i32
      %dma_wait3A_169 = tpu.memref_slice %arg8[%dma_wait3A_167, %dma_wait3A_168] : memref<128x128xf32, #tpu.memory_space<vmem>> -> memref<128x128xf32, #tpu.memory_space<vmem>>
      %dma_wait3A_170 = arith.constant 0 : i32
      %dma_wait3A_171 = arith.constant 0 : i32
      %dma_wait3A_172 = tpu.memref_slice %arg5[%arg0, %dma_wait3A_170, %dma_wait3A_171] : memref<2x10112x128xf32, #tpu.memory_space<hbm>> -> memref<1x10112x128xf32, #tpu.memory_space<hbm>>
      %dma_wait3A_173 = tpu.memref_squeeze %dma_wait3A_172 : memref<1x10112x128xf32, #tpu.memory_space<hbm>> -> memref<10112x128xf32, #tpu.memory_space<hbm>>
      %dma_wait3A_174 = arith.constant 0 : i32
      %dma_wait3A_175 = tpu.memref_slice %dma_wait3A_173[%add3A_140, %dma_wait3A_174] : memref<10112x128xf32, #tpu.memory_space<hbm>> -> memref<128x128xf32, #tpu.memory_space<hbm>>
      %dma_wait3A_176 = arith.constant 0 : i32
      %dma_wait3A_177 = arith.constant 0 : i32
      %dma_wait3A_178 = tpu.memref_slice %arg5[%arg0, %dma_wait3A_176, %dma_wait3A_177] : memref<2x10112x128xf32, #tpu.memory_space<hbm>> -> memref<1x10112x128xf32, #tpu.memory_space<hbm>>
      %dma_wait3A_179 = tpu.memref_squeeze %dma_wait3A_178 : memref<1x10112x128xf32, #tpu.memory_space<hbm>> -> memref<10112x128xf32, #tpu.memory_space<hbm>>
      %dma_wait3A_180 = arith.constant 0 : i32
      %dma_wait3A_181 = tpu.memref_slice %dma_wait3A_179[%add3A_140, %dma_wait3A_180] : memref<10112x128xf32, #tpu.memory_space<hbm>> -> memref<128x128xf32, #tpu.memory_space<hbm>>
      %dma_wait3A_182 = arith.constant 0 : i32
      %dma_wait3A_183 = arith.constant 0 : i32
      %dma_wait3A_184 = tpu.memref_slice %arg8[%dma_wait3A_182, %dma_wait3A_183] : memref<128x128xf32, #tpu.memory_space<vmem>> -> memref<128x128xf32, #tpu.memory_space<vmem>>
      tpu.wait_dma2 semaphore(%run_scoped3A : memref<!tpu.dma_semaphore, #tpu.memory_space<semaphore_mem>>) src(%dma_wait3A_184 : memref<128x128xf32, #tpu.memory_space<vmem>>) dst(%dma_wait3A_181 : memref<128x128xf32, #tpu.memory_space<hbm>>)
      tpu.yield
    }) : () -> ()
    %mul3A_141 = arith.constant 632 : i32
    %mul3A_142 = arith.muli %arg1, %mul3A_141 : i32
    %add3A_143 = arith.constant 384 : i32
    %add3A_144 = arith.addi %mul3A_142, %add3A_143 : i32
    "tpu.region"() ({
      %run_scoped3A = tpu.sem_alloc : memref<!tpu.dma_semaphore, #tpu.memory_space<semaphore_mem>>
      %dma_start3A_149 = arith.constant 0 : i32
      %dma_start3A_150 = arith.constant 0 : i32
      %dma_start3A_151 = tpu.memref_slice %arg8[%dma_start3A_149, %dma_start3A_150] : memref<128x128xf32, #tpu.memory_space<vmem>> -> memref<128x128xf32, #tpu.memory_space<vmem>>
      %dma_start3A_152 = arith.constant 0 : i32
      %dma_start3A_153 = tpu.memref_slice %arg9[%add3A_144, %dma_start3A_152] : memref<10112x128xf32, #tpu.memory_space<vmem_shared>> -> memref<128x128xf32, #tpu.memory_space<vmem_shared>>
      %dma_start3A_154 = arith.constant 0 : i32
      %dma_start3A_155 = arith.constant 0 : i32
      %dma_start3A_156 = tpu.memref_slice %arg8[%dma_start3A_154, %dma_start3A_155] : memref<128x128xf32, #tpu.memory_space<vmem>> -> memref<128x128xf32, #tpu.memory_space<vmem>>
      %dma_start3A_157 = arith.constant 0 : i32
      %dma_start3A_158 = tpu.memref_slice %arg9[%add3A_144, %dma_start3A_157] : memref<10112x128xf32, #tpu.memory_space<vmem_shared>> -> memref<128x128xf32, #tpu.memory_space<vmem_shared>>
      tpu.enqueue_dma source(%dma_start3A_158 : memref<128x128xf32, #tpu.memory_space<vmem_shared>>) target(%dma_start3A_156 : memref<128x128xf32, #tpu.memory_space<vmem>>) target_semaphore(%run_scoped3A : memref<!tpu.dma_semaphore, #tpu.memory_space<semaphore_mem>>)
      %dma_wait3A_159 = arith.constant 0 : i32
      %dma_wait3A_160 = arith.constant 0 : i32
      %dma_wait3A_161 = tpu.memref_slice %arg8[%dma_wait3A_159, %dma_wait3A_160] : memref<128x128xf32, #tpu.memory_space<vmem>> -> memref<128x128xf32, #tpu.memory_space<vmem>>
      %dma_wait3A_162 = arith.constant 0 : i32
      %dma_wait3A_163 = tpu.memref_slice %arg9[%add3A_144, %dma_wait3A_162] : memref<10112x128xf32, #tpu.memory_space<vmem_shared>> -> memref<128x128xf32, #tpu.memory_space<vmem_shared>>
      %dma_wait3A_164 = arith.constant 0 : i32
      %dma_wait3A_165 = arith.constant 0 : i32
      %dma_wait3A_166 = tpu.memref_slice %arg8[%dma_wait3A_164, %dma_wait3A_165] : memref<128x128xf32, #tpu.memory_space<vmem>> -> memref<128x128xf32, #tpu.memory_space<vmem>>
      %dma_wait3A_167 = arith.constant 0 : i32
      %dma_wait3A_168 = tpu.memref_slice %arg9[%add3A_144, %dma_wait3A_167] : memref<10112x128xf32, #tpu.memory_space<vmem_shared>> -> memref<128x128xf32, #tpu.memory_space<vmem_shared>>
      tpu.wait_dma2 semaphore(%run_scoped3A : memref<!tpu.dma_semaphore, #tpu.memory_space<semaphore_mem>>) src(%dma_wait3A_168 : memref<128x128xf32, #tpu.memory_space<vmem_shared>>) dst(%dma_wait3A_166 : memref<128x128xf32, #tpu.memory_space<vmem>>)
      tpu.yield
    }) : () -> ()
    "tpu.region"() ({
      %run_scoped3A = tpu.sem_alloc : memref<!tpu.dma_semaphore, #tpu.memory_space<semaphore_mem>>
      %dma_start3A_149 = arith.constant 0 : i32
      %dma_start3A_150 = arith.constant 0 : i32
      %dma_start3A_151 = tpu.memref_slice %arg8[%dma_start3A_149, %dma_start3A_150] : memref<128x128xf32, #tpu.memory_space<vmem>> -> memref<128x128xf32, #tpu.memory_space<vmem>>
      %dma_start3A_152 = arith.constant 0 : i32
      %dma_start3A_153 = arith.constant 0 : i32
      %dma_start3A_154 = tpu.memref_slice %arg5[%arg0, %dma_start3A_152, %dma_start3A_153] : memref<2x10112x128xf32, #tpu.memory_space<hbm>> -> memref<1x10112x128xf32, #tpu.memory_space<hbm>>
      %dma_start3A_155 = tpu.memref_squeeze %dma_start3A_154 : memref<1x10112x128xf32, #tpu.memory_space<hbm>> -> memref<10112x128xf32, #tpu.memory_space<hbm>>
      %dma_start3A_156 = arith.constant 0 : i32
      %dma_start3A_157 = tpu.memref_slice %dma_start3A_155[%add3A_144, %dma_start3A_156] : memref<10112x128xf32, #tpu.memory_space<hbm>> -> memref<128x128xf32, #tpu.memory_space<hbm>>
      %dma_start3A_158 = arith.constant 0 : i32
      %dma_start3A_159 = arith.constant 0 : i32
      %dma_start3A_160 = tpu.memref_slice %arg5[%arg0, %dma_start3A_158, %dma_start3A_159] : memref<2x10112x128xf32, #tpu.memory_space<hbm>> -> memref<1x10112x128xf32, #tpu.memory_space<hbm>>
      %dma_start3A_161 = tpu.memref_squeeze %dma_start3A_160 : memref<1x10112x128xf32, #tpu.memory_space<hbm>> -> memref<10112x128xf32, #tpu.memory_space<hbm>>
      %dma_start3A_162 = arith.constant 0 : i32
      %dma_start3A_163 = tpu.memref_slice %dma_start3A_161[%add3A_144, %dma_start3A_162] : memref<10112x128xf32, #tpu.memory_space<hbm>> -> memref<128x128xf32, #tpu.memory_space<hbm>>
      %dma_start3A_164 = arith.constant 0 : i32
      %dma_start3A_165 = arith.constant 0 : i32
      %dma_start3A_166 = tpu.memref_slice %arg8[%dma_start3A_164, %dma_start3A_165] : memref<128x128xf32, #tpu.memory_space<vmem>> -> memref<128x128xf32, #tpu.memory_space<vmem>>
      tpu.enqueue_dma source(%dma_start3A_166 : memref<128x128xf32, #tpu.memory_space<vmem>>) target(%dma_start3A_163 : memref<128x128xf32, #tpu.memory_space<hbm>>) target_semaphore(%run_scoped3A : memref<!tpu.dma_semaphore, #tpu.memory_space<semaphore_mem>>)
      %dma_wait3A_167 = arith.constant 0 : i32
      %dma_wait3A_168 = arith.constant 0 : i32
      %dma_wait3A_169 = tpu.memref_slice %arg8[%dma_wait3A_167, %dma_wait3A_168] : memref<128x128xf32, #tpu.memory_space<vmem>> -> memref<128x128xf32, #tpu.memory_space<vmem>>
      %dma_wait3A_170 = arith.constant 0 : i32
      %dma_wait3A_171 = arith.constant 0 : i32
      %dma_wait3A_172 = tpu.memref_slice %arg5[%arg0, %dma_wait3A_170, %dma_wait3A_171] : memref<2x10112x128xf32, #tpu.memory_space<hbm>> -> memref<1x10112x128xf32, #tpu.memory_space<hbm>>
      %dma_wait3A_173 = tpu.memref_squeeze %dma_wait3A_172 : memref<1x10112x128xf32, #tpu.memory_space<hbm>> -> memref<10112x128xf32, #tpu.memory_space<hbm>>
      %dma_wait3A_174 = arith.constant 0 : i32
      %dma_wait3A_175 = tpu.memref_slice %dma_wait3A_173[%add3A_144, %dma_wait3A_174] : memref<10112x128xf32, #tpu.memory_space<hbm>> -> memref<128x128xf32, #tpu.memory_space<hbm>>
      %dma_wait3A_176 = arith.constant 0 : i32
      %dma_wait3A_177 = arith.constant 0 : i32
      %dma_wait3A_178 = tpu.memref_slice %arg5[%arg0, %dma_wait3A_176, %dma_wait3A_177] : memref<2x10112x128xf32, #tpu.memory_space<hbm>> -> memref<1x10112x128xf32, #tpu.memory_space<hbm>>
      %dma_wait3A_179 = tpu.memref_squeeze %dma_wait3A_178 : memref<1x10112x128xf32, #tpu.memory_space<hbm>> -> memref<10112x128xf32, #tpu.memory_space<hbm>>
      %dma_wait3A_180 = arith.constant 0 : i32
      %dma_wait3A_181 = tpu.memref_slice %dma_wait3A_179[%add3A_144, %dma_wait3A_180] : memref<10112x128xf32, #tpu.memory_space<hbm>> -> memref<128x128xf32, #tpu.memory_space<hbm>>
      %dma_wait3A_182 = arith.constant 0 : i32
      %dma_wait3A_183 = arith.constant 0 : i32
      %dma_wait3A_184 = tpu.memref_slice %arg8[%dma_wait3A_182, %dma_wait3A_183] : memref<128x128xf32, #tpu.memory_space<vmem>> -> memref<128x128xf32, #tpu.memory_space<vmem>>
      tpu.wait_dma2 semaphore(%run_scoped3A : memref<!tpu.dma_semaphore, #tpu.memory_space<semaphore_mem>>) src(%dma_wait3A_184 : memref<128x128xf32, #tpu.memory_space<vmem>>) dst(%dma_wait3A_181 : memref<128x128xf32, #tpu.memory_space<hbm>>)
      tpu.yield
    }) : () -> ()
    %mul3A_145 = arith.constant 632 : i32
    %mul3A_146 = arith.muli %arg1, %mul3A_145 : i32
    %add3A_147 = arith.constant 512 : i32
    %add3A_148 = arith.addi %mul3A_146, %add3A_147 : i32
    "tpu.region"() ({
      %run_scoped3A = tpu.sem_alloc : memref<!tpu.dma_semaphore, #tpu.memory_space<semaphore_mem>>
      %dma_start3A_149 = arith.constant 0 : i32
      %dma_start3A_150 = arith.constant 0 : i32
      %dma_start3A_151 = tpu.memref_slice %arg8[%dma_start3A_149, %dma_start3A_150] : memref<128x128xf32, #tpu.memory_space<vmem>> -> memref<120x128xf32, #tpu.memory_space<vmem>>
      %dma_start3A_152 = arith.constant 0 : i32
      %dma_start3A_153 = tpu.memref_slice %arg9[%add3A_148, %dma_start3A_152] : memref<10112x128xf32, #tpu.memory_space<vmem_shared>> -> memref<120x128xf32, #tpu.memory_space<vmem_shared>>
      %dma_start3A_154 = arith.constant 0 : i32
      %dma_start3A_155 = arith.constant 0 : i32
      %dma_start3A_156 = tpu.memref_slice %arg8[%dma_start3A_154, %dma_start3A_155] : memref<128x128xf32, #tpu.memory_space<vmem>> -> memref<120x128xf32, #tpu.memory_space<vmem>>
      %dma_start3A_157 = arith.constant 0 : i32
      %dma_start3A_158 = tpu.memref_slice %arg9[%add3A_148, %dma_start3A_157] : memref<10112x128xf32, #tpu.memory_space<vmem_shared>> -> memref<120x128xf32, #tpu.memory_space<vmem_shared>>
      tpu.enqueue_dma source(%dma_start3A_158 : memref<120x128xf32, #tpu.memory_space<vmem_shared>>) target(%dma_start3A_156 : memref<120x128xf32, #tpu.memory_space<vmem>>) target_semaphore(%run_scoped3A : memref<!tpu.dma_semaphore, #tpu.memory_space<semaphore_mem>>)
      %dma_wait3A_159 = arith.constant 0 : i32
      %dma_wait3A_160 = arith.constant 0 : i32
      %dma_wait3A_161 = tpu.memref_slice %arg8[%dma_wait3A_159, %dma_wait3A_160] : memref<128x128xf32, #tpu.memory_space<vmem>> -> memref<120x128xf32, #tpu.memory_space<vmem>>
      %dma_wait3A_162 = arith.constant 0 : i32
      %dma_wait3A_163 = tpu.memref_slice %arg9[%add3A_148, %dma_wait3A_162] : memref<10112x128xf32, #tpu.memory_space<vmem_shared>> -> memref<120x128xf32, #tpu.memory_space<vmem_shared>>
      %dma_wait3A_164 = arith.constant 0 : i32
      %dma_wait3A_165 = arith.constant 0 : i32
      %dma_wait3A_166 = tpu.memref_slice %arg8[%dma_wait3A_164, %dma_wait3A_165] : memref<128x128xf32, #tpu.memory_space<vmem>> -> memref<120x128xf32, #tpu.memory_space<vmem>>
      %dma_wait3A_167 = arith.constant 0 : i32
      %dma_wait3A_168 = tpu.memref_slice %arg9[%add3A_148, %dma_wait3A_167] : memref<10112x128xf32, #tpu.memory_space<vmem_shared>> -> memref<120x128xf32, #tpu.memory_space<vmem_shared>>
      tpu.wait_dma2 semaphore(%run_scoped3A : memref<!tpu.dma_semaphore, #tpu.memory_space<semaphore_mem>>) src(%dma_wait3A_168 : memref<120x128xf32, #tpu.memory_space<vmem_shared>>) dst(%dma_wait3A_166 : memref<120x128xf32, #tpu.memory_space<vmem>>)
      tpu.yield
    }) : () -> ()
    "tpu.region"() ({
      %run_scoped3A = tpu.sem_alloc : memref<!tpu.dma_semaphore, #tpu.memory_space<semaphore_mem>>
      %dma_start3A_149 = arith.constant 0 : i32
      %dma_start3A_150 = arith.constant 0 : i32
      %dma_start3A_151 = tpu.memref_slice %arg8[%dma_start3A_149, %dma_start3A_150] : memref<128x128xf32, #tpu.memory_space<vmem>> -> memref<120x128xf32, #tpu.memory_space<vmem>>
      %dma_start3A_152 = arith.constant 0 : i32
      %dma_start3A_153 = arith.constant 0 : i32
      %dma_start3A_154 = tpu.memref_slice %arg5[%arg0, %dma_start3A_152, %dma_start3A_153] : memref<2x10112x128xf32, #tpu.memory_space<hbm>> -> memref<1x10112x128xf32, #tpu.memory_space<hbm>>
      %dma_start3A_155 = tpu.memref_squeeze %dma_start3A_154 : memref<1x10112x128xf32, #tpu.memory_space<hbm>> -> memref<10112x128xf32, #tpu.memory_space<hbm>>
      %dma_start3A_156 = arith.constant 0 : i32
      %dma_start3A_157 = tpu.memref_slice %dma_start3A_155[%add3A_148, %dma_start3A_156] : memref<10112x128xf32, #tpu.memory_space<hbm>> -> memref<120x128xf32, #tpu.memory_space<hbm>>
      %dma_start3A_158 = arith.constant 0 : i32
      %dma_start3A_159 = arith.constant 0 : i32
      %dma_start3A_160 = tpu.memref_slice %arg5[%arg0, %dma_start3A_158, %dma_start3A_159] : memref<2x10112x128xf32, #tpu.memory_space<hbm>> -> memref<1x10112x128xf32, #tpu.memory_space<hbm>>
      %dma_start3A_161 = tpu.memref_squeeze %dma_start3A_160 : memref<1x10112x128xf32, #tpu.memory_space<hbm>> -> memref<10112x128xf32, #tpu.memory_space<hbm>>
      %dma_start3A_162 = arith.constant 0 : i32
      %dma_start3A_163 = tpu.memref_slice %dma_start3A_161[%add3A_148, %dma_start3A_162] : memref<10112x128xf32, #tpu.memory_space<hbm>> -> memref<120x128xf32, #tpu.memory_space<hbm>>
      %dma_start3A_164 = arith.constant 0 : i32
      %dma_start3A_165 = arith.constant 0 : i32
      %dma_start3A_166 = tpu.memref_slice %arg8[%dma_start3A_164, %dma_start3A_165] : memref<128x128xf32, #tpu.memory_space<vmem>> -> memref<120x128xf32, #tpu.memory_space<vmem>>
      tpu.enqueue_dma source(%dma_start3A_166 : memref<120x128xf32, #tpu.memory_space<vmem>>) target(%dma_start3A_163 : memref<120x128xf32, #tpu.memory_space<hbm>>) target_semaphore(%run_scoped3A : memref<!tpu.dma_semaphore, #tpu.memory_space<semaphore_mem>>)
      %dma_wait3A_167 = arith.constant 0 : i32
      %dma_wait3A_168 = arith.constant 0 : i32
      %dma_wait3A_169 = tpu.memref_slice %arg8[%dma_wait3A_167, %dma_wait3A_168] : memref<128x128xf32, #tpu.memory_space<vmem>> -> memref<120x128xf32, #tpu.memory_space<vmem>>
      %dma_wait3A_170 = arith.constant 0 : i32
      %dma_wait3A_171 = arith.constant 0 : i32
      %dma_wait3A_172 = tpu.memref_slice %arg5[%arg0, %dma_wait3A_170, %dma_wait3A_171] : memref<2x10112x128xf32, #tpu.memory_space<hbm>> -> memref<1x10112x128xf32, #tpu.memory_space<hbm>>
      %dma_wait3A_173 = tpu.memref_squeeze %dma_wait3A_172 : memref<1x10112x128xf32, #tpu.memory_space<hbm>> -> memref<10112x128xf32, #tpu.memory_space<hbm>>
      %dma_wait3A_174 = arith.constant 0 : i32
      %dma_wait3A_175 = tpu.memref_slice %dma_wait3A_173[%add3A_148, %dma_wait3A_174] : memref<10112x128xf32, #tpu.memory_space<hbm>> -> memref<120x128xf32, #tpu.memory_space<hbm>>
      %dma_wait3A_176 = arith.constant 0 : i32
      %dma_wait3A_177 = arith.constant 0 : i32
      %dma_wait3A_178 = tpu.memref_slice %arg5[%arg0, %dma_wait3A_176, %dma_wait3A_177] : memref<2x10112x128xf32, #tpu.memory_space<hbm>> -> memref<1x10112x128xf32, #tpu.memory_space<hbm>>
      %dma_wait3A_179 = tpu.memref_squeeze %dma_wait3A_178 : memref<1x10112x128xf32, #tpu.memory_space<hbm>> -> memref<10112x128xf32, #tpu.memory_space<hbm>>
      %dma_wait3A_180 = arith.constant 0 : i32
      %dma_wait3A_181 = tpu.memref_slice %dma_wait3A_179[%add3A_148, %dma_wait3A_180] : memref<10112x128xf32, #tpu.memory_space<hbm>> -> memref<120x128xf32, #tpu.memory_space<hbm>>
      %dma_wait3A_182 = arith.constant 0 : i32
      %dma_wait3A_183 = arith.constant 0 : i32
      %dma_wait3A_184 = tpu.memref_slice %arg8[%dma_wait3A_182, %dma_wait3A_183] : memref<128x128xf32, #tpu.memory_space<vmem>> -> memref<120x128xf32, #tpu.memory_space<vmem>>
      tpu.wait_dma2 semaphore(%run_scoped3A : memref<!tpu.dma_semaphore, #tpu.memory_space<semaphore_mem>>) src(%dma_wait3A_184 : memref<120x128xf32, #tpu.memory_space<vmem>>) dst(%dma_wait3A_181 : memref<120x128xf32, #tpu.memory_space<hbm>>)
      tpu.yield
    }) : () -> ()
    return
  }
}

#map = affine_map<(d0, d1) -> (0, 0)>
#map1 = affine_map<(d0, d1) -> (0, 0, 0)>
module attributes {stable_mosaic.version = 14 : i64} {
  func.func @sc_scatter(%arg0: i32, %arg1: i32, %arg2: memref<10000x128xf32, #tpu.memory_space<hbm>>, %arg3: memref<32x79x128xi32, #tpu.memory_space<hbm>>, %arg4: memref<32x79x128xi32, #tpu.memory_space<hbm>>, %arg5: memref<2x10112x128xf32, #tpu.memory_space<hbm>>, %arg6: memref<79x128xi32, #tpu.memory_space<vmem>>, %arg7: memref<79x128xi32, #tpu.memory_space<vmem>>, %arg8: memref<128x128xf32, #tpu.memory_space<vmem>>, %arg9: memref<10112x128xf32, #tpu.memory_space<vmem_shared>>, %arg10: memref<!tpu.dma_semaphore, #tpu.memory_space<semaphore_mem>>) attributes {dimension_semantics = [#tpu.dimension_semantics<core_parallel>, #tpu.dimension_semantics<subcore_parallel>], iteration_bounds = array<i64: 2, 16>, scalar_prefetch = 0 : i64, scratch_operands = 5 : i64, tpu.core_type = #tpu.core_type<sc_vector_subcore>, window_params = [{transform_indices = #map}, {transform_indices = #map1}, {transform_indices = #map1}, {transform_indices = #map1}]} {
    %mul3A = arith.constant 16 : i32
    %mul3A_0 = arith.muli %arg0, %mul3A : i32
    %add3A = arith.addi %mul3A_0, %arg1 : i32
    %scan3A = arith.constant 0 : i32
    %scan3A_1 = arith.constant 1024 : i32
    %scan3A_2 = arith.addi %scan3A, %scan3A_1 : i32
    %scan3A_3 = arith.constant 1 : i32
    scf.for %scan3A_149 = %scan3A to %scan3A_2 step %scan3A_3  : i32 {
      %jit3A = arith.constant 8 : i32
      %div3A = arith.divsi %scan3A_149, %jit3A : i32
      %sign3A = arith.constant 0 : i32
      %sign3A_150 = arith.cmpi sgt, %scan3A_149, %sign3A : i32
      %sign3A_151 = arith.extui %sign3A_150 : i1 to i32
      %sign3A_152 = arith.constant 0 : i32
      %sign3A_153 = arith.cmpi slt, %scan3A_149, %sign3A_152 : i32
      %sign3A_154 = arith.extui %sign3A_153 : i1 to i32
      %sign3A_155 = arith.subi %sign3A_151, %sign3A_154 : i32
      %sign3A_156 = arith.constant 0 : i32
      %sign3A_157 = arith.cmpi sgt, %jit3A, %sign3A_156 : i32
      %sign3A_158 = arith.extui %sign3A_157 : i1 to i32
      %sign3A_159 = arith.constant 0 : i32
      %sign3A_160 = arith.cmpi slt, %jit3A, %sign3A_159 : i32
      %sign3A_161 = arith.extui %sign3A_160 : i1 to i32
      %sign3A_162 = arith.subi %sign3A_158, %sign3A_161 : i32
      %ne3A = arith.cmpi ne, %sign3A_155, %sign3A_162 : i32
      %rem3A = arith.remsi %scan3A_149, %jit3A : i32
      %ne3A_163 = arith.constant 0 : i32
      %ne3A_164 = arith.cmpi ne, %rem3A, %ne3A_163 : i32
      %and3A = arith.andi %ne3A, %ne3A_164 : i1
      %sub3A = arith.constant 1 : i32
      %sub3A_165 = arith.subi %div3A, %sub3A : i32
      %select_n3A = arith.select %and3A, %sub3A_165, %div3A : i32
      %jit3A_166 = arith.constant 8 : i32
      %eq3A = arith.constant 0 : i32
      %eq3A_167 = arith.cmpi eq, %jit3A_166, %eq3A : i32
      %jit3A_168 = arith.constant 1 : i32
      %select_n3A_169 = arith.select %eq3A_167, %jit3A_168, %jit3A_166 : i32
      %rem3A_170 = arith.remsi %scan3A_149, %select_n3A_169 : i32
      %ne3A_171 = arith.constant 0 : i32
      %ne3A_172 = arith.cmpi ne, %rem3A_170, %ne3A_171 : i32
      %lt3A = arith.constant 0 : i32
      %lt3A_173 = arith.cmpi slt, %rem3A_170, %lt3A : i32
      %lt3A_174 = arith.constant 0 : i32
      %lt3A_175 = arith.cmpi slt, %select_n3A_169, %lt3A_174 : i32
      %ne3A_176 = arith.xori %lt3A_173, %lt3A_175 : i1
      %and3A_177 = arith.andi %ne3A_176, %ne3A_172 : i1
      %add3A_178 = arith.addi %rem3A_170, %select_n3A_169 : i32
      %select_n3A_179 = arith.select %and3A_177, %add3A_178, %rem3A_170 : i32
      %mul3A_180 = arith.constant 16 : i32
      %mul3A_181 = arith.muli %select_n3A_179, %mul3A_180 : i32
      %broadcast_in_dim3A = arith.constant 0.000000e+00 : f32
      %broadcast_in_dim3A_182 = vector.broadcast %broadcast_in_dim3A : f32 to vector<16xf32>
      %swap3A = arith.index_cast %select_n3A : i32 to index
      %swap3A_183 = arith.index_cast %mul3A_181 : i32 to index
      %swap3A_184 = tpu.vector_load %arg8[%swap3A, %swap3A_183] {strides = array<i32>} : memref<128x128xf32, #tpu.memory_space<vmem>>, vector<1x16xf32>,
      %swap3A_185 = vector.shape_cast %swap3A_184 : vector<1x16xf32> to vector<16xf32>
      %swap3A_186 = vector.shape_cast %broadcast_in_dim3A_182 : vector<16xf32> to vector<1x16xf32>
      tpu.vector_store %arg8[%swap3A, %swap3A_183], %swap3A_186 {strides = array<i32>} : memref<128x128xf32, #tpu.memory_space<vmem>>, vector<1x16xf32>,
    }
    %scan3A_4 = arith.constant 1024 : i32
    %mul3A_5 = arith.constant 632 : i32
    %mul3A_6 = arith.muli %arg1, %mul3A_5 : i32
    %add3A_7 = arith.constant 0 : i32
    %add3A_8 = arith.addi %mul3A_6, %add3A_7 : i32
    %dma_start3A = arith.constant 0 : i32
    %dma_start3A_9 = arith.constant 0 : i32
    %dma_start3A_10 = tpu.memref_slice %arg8[%dma_start3A, %dma_start3A_9] : memref<128x128xf32, #tpu.memory_space<vmem>> -> memref<128x128xf32, #tpu.memory_space<vmem>>
    %dma_start3A_11 = arith.constant 0 : i32
    %dma_start3A_12 = tpu.memref_slice %arg9[%add3A_8, %dma_start3A_11] : memref<10112x128xf32, #tpu.memory_space<vmem_shared>> -> memref<128x128xf32, #tpu.memory_space<vmem_shared>>
    %dma_start3A_13 = arith.constant 0 : i32
    %dma_start3A_14 = tpu.memref_slice %arg9[%add3A_8, %dma_start3A_13] : memref<10112x128xf32, #tpu.memory_space<vmem_shared>> -> memref<128x128xf32, #tpu.memory_space<vmem_shared>>
    %dma_start3A_15 = arith.constant 0 : i32
    %dma_start3A_16 = arith.constant 0 : i32
    %dma_start3A_17 = tpu.memref_slice %arg8[%dma_start3A_15, %dma_start3A_16] : memref<128x128xf32, #tpu.memory_space<vmem>> -> memref<128x128xf32, #tpu.memory_space<vmem>>
    tpu.enqueue_dma source(%dma_start3A_17 : memref<128x128xf32, #tpu.memory_space<vmem>>) target(%dma_start3A_14 : memref<128x128xf32, #tpu.memory_space<vmem_shared>>) target_semaphore(%arg10 : memref<!tpu.dma_semaphore, #tpu.memory_space<semaphore_mem>>)
    %mul3A_18 = arith.constant 632 : i32
    %mul3A_19 = arith.muli %arg1, %mul3A_18 : i32
    %add3A_20 = arith.constant 128 : i32
    %add3A_21 = arith.addi %mul3A_19, %add3A_20 : i32
    %dma_start3A_22 = arith.constant 0 : i32
    %dma_start3A_23 = arith.constant 0 : i32
    %dma_start3A_24 = tpu.memref_slice %arg8[%dma_start3A_22, %dma_start3A_23] : memref<128x128xf32, #tpu.memory_space<vmem>> -> memref<128x128xf32, #tpu.memory_space<vmem>>
    %dma_start3A_25 = arith.constant 0 : i32
    %dma_start3A_26 = tpu.memref_slice %arg9[%add3A_21, %dma_start3A_25] : memref<10112x128xf32, #tpu.memory_space<vmem_shared>> -> memref<128x128xf32, #tpu.memory_space<vmem_shared>>
    %dma_start3A_27 = arith.constant 0 : i32
    %dma_start3A_28 = tpu.memref_slice %arg9[%add3A_21, %dma_start3A_27] : memref<10112x128xf32, #tpu.memory_space<vmem_shared>> -> memref<128x128xf32, #tpu.memory_space<vmem_shared>>
    %dma_start3A_29 = arith.constant 0 : i32
    %dma_start3A_30 = arith.constant 0 : i32
    %dma_start3A_31 = tpu.memref_slice %arg8[%dma_start3A_29, %dma_start3A_30] : memref<128x128xf32, #tpu.memory_space<vmem>> -> memref<128x128xf32, #tpu.memory_space<vmem>>
    tpu.enqueue_dma source(%dma_start3A_31 : memref<128x128xf32, #tpu.memory_space<vmem>>) target(%dma_start3A_28 : memref<128x128xf32, #tpu.memory_space<vmem_shared>>) target_semaphore(%arg10 : memref<!tpu.dma_semaphore, #tpu.memory_space<semaphore_mem>>)
    %mul3A_32 = arith.constant 632 : i32
    %mul3A_33 = arith.muli %arg1, %mul3A_32 : i32
    %add3A_34 = arith.constant 256 : i32
    %add3A_35 = arith.addi %mul3A_33, %add3A_34 : i32
    %dma_start3A_36 = arith.constant 0 : i32
    %dma_start3A_37 = arith.constant 0 : i32
    %dma_start3A_38 = tpu.memref_slice %arg8[%dma_start3A_36, %dma_start3A_37] : memref<128x128xf32, #tpu.memory_space<vmem>> -> memref<128x128xf32, #tpu.memory_space<vmem>>
    %dma_start3A_39 = arith.constant 0 : i32
    %dma_start3A_40 = tpu.memref_slice %arg9[%add3A_35, %dma_start3A_39] : memref<10112x128xf32, #tpu.memory_space<vmem_shared>> -> memref<128x128xf32, #tpu.memory_space<vmem_shared>>
    %dma_start3A_41 = arith.constant 0 : i32
    %dma_start3A_42 = tpu.memref_slice %arg9[%add3A_35, %dma_start3A_41] : memref<10112x128xf32, #tpu.memory_space<vmem_shared>> -> memref<128x128xf32, #tpu.memory_space<vmem_shared>>
    %dma_start3A_43 = arith.constant 0 : i32
    %dma_start3A_44 = arith.constant 0 : i32
    %dma_start3A_45 = tpu.memref_slice %arg8[%dma_start3A_43, %dma_start3A_44] : memref<128x128xf32, #tpu.memory_space<vmem>> -> memref<128x128xf32, #tpu.memory_space<vmem>>
    tpu.enqueue_dma source(%dma_start3A_45 : memref<128x128xf32, #tpu.memory_space<vmem>>) target(%dma_start3A_42 : memref<128x128xf32, #tpu.memory_space<vmem_shared>>) target_semaphore(%arg10 : memref<!tpu.dma_semaphore, #tpu.memory_space<semaphore_mem>>)
    %mul3A_46 = arith.constant 632 : i32
    %mul3A_47 = arith.muli %arg1, %mul3A_46 : i32
    %add3A_48 = arith.constant 384 : i32
    %add3A_49 = arith.addi %mul3A_47, %add3A_48 : i32
    %dma_start3A_50 = arith.constant 0 : i32
    %dma_start3A_51 = arith.constant 0 : i32
    %dma_start3A_52 = tpu.memref_slice %arg8[%dma_start3A_50, %dma_start3A_51] : memref<128x128xf32, #tpu.memory_space<vmem>> -> memref<128x128xf32, #tpu.memory_space<vmem>>
    %dma_start3A_53 = arith.constant 0 : i32
    %dma_start3A_54 = tpu.memref_slice %arg9[%add3A_49, %dma_start3A_53] : memref<10112x128xf32, #tpu.memory_space<vmem_shared>> -> memref<128x128xf32, #tpu.memory_space<vmem_shared>>
    %dma_start3A_55 = arith.constant 0 : i32
    %dma_start3A_56 = tpu.memref_slice %arg9[%add3A_49, %dma_start3A_55] : memref<10112x128xf32, #tpu.memory_space<vmem_shared>> -> memref<128x128xf32, #tpu.memory_space<vmem_shared>>
    %dma_start3A_57 = arith.constant 0 : i32
    %dma_start3A_58 = arith.constant 0 : i32
    %dma_start3A_59 = tpu.memref_slice %arg8[%dma_start3A_57, %dma_start3A_58] : memref<128x128xf32, #tpu.memory_space<vmem>> -> memref<128x128xf32, #tpu.memory_space<vmem>>
    tpu.enqueue_dma source(%dma_start3A_59 : memref<128x128xf32, #tpu.memory_space<vmem>>) target(%dma_start3A_56 : memref<128x128xf32, #tpu.memory_space<vmem_shared>>) target_semaphore(%arg10 : memref<!tpu.dma_semaphore, #tpu.memory_space<semaphore_mem>>)
    %mul3A_60 = arith.constant 632 : i32
    %mul3A_61 = arith.muli %arg1, %mul3A_60 : i32
    %add3A_62 = arith.constant 512 : i32
    %add3A_63 = arith.addi %mul3A_61, %add3A_62 : i32
    %dma_start3A_64 = arith.constant 0 : i32
    %dma_start3A_65 = arith.constant 0 : i32
    %dma_start3A_66 = tpu.memref_slice %arg8[%dma_start3A_64, %dma_start3A_65] : memref<128x128xf32, #tpu.memory_space<vmem>> -> memref<120x128xf32, #tpu.memory_space<vmem>>
    %dma_start3A_67 = arith.constant 0 : i32
    %dma_start3A_68 = tpu.memref_slice %arg9[%add3A_63, %dma_start3A_67] : memref<10112x128xf32, #tpu.memory_space<vmem_shared>> -> memref<120x128xf32, #tpu.memory_space<vmem_shared>>
    %dma_start3A_69 = arith.constant 0 : i32
    %dma_start3A_70 = tpu.memref_slice %arg9[%add3A_63, %dma_start3A_69] : memref<10112x128xf32, #tpu.memory_space<vmem_shared>> -> memref<120x128xf32, #tpu.memory_space<vmem_shared>>
    %dma_start3A_71 = arith.constant 0 : i32
    %dma_start3A_72 = arith.constant 0 : i32
    %dma_start3A_73 = tpu.memref_slice %arg8[%dma_start3A_71, %dma_start3A_72] : memref<128x128xf32, #tpu.memory_space<vmem>> -> memref<120x128xf32, #tpu.memory_space<vmem>>
    tpu.enqueue_dma source(%dma_start3A_73 : memref<120x128xf32, #tpu.memory_space<vmem>>) target(%dma_start3A_70 : memref<120x128xf32, #tpu.memory_space<vmem_shared>>) target_semaphore(%arg10 : memref<!tpu.dma_semaphore, #tpu.memory_space<semaphore_mem>>)
    "tpu.region"() ({
      %run_scoped3A = tpu.sem_alloc : memref<!tpu.dma_semaphore, #tpu.memory_space<semaphore_mem>>
      %dma_start3A_149 = arith.constant 0 : i32
      %dma_start3A_150 = arith.constant 0 : i32
      %dma_start3A_151 = tpu.memref_slice %arg3[%add3A, %dma_start3A_149, %dma_start3A_150] : memref<32x79x128xi32, #tpu.memory_space<hbm>> -> memref<1x79x128xi32, #tpu.memory_space<hbm>>
      %dma_start3A_152 = tpu.memref_squeeze %dma_start3A_151 : memref<1x79x128xi32, #tpu.memory_space<hbm>> -> memref<79x128xi32, #tpu.memory_space<hbm>>
      %dma_start3A_153 = arith.constant 0 : i32
      %dma_start3A_154 = arith.constant 0 : i32
      %dma_start3A_155 = tpu.memref_slice %arg3[%add3A, %dma_start3A_153, %dma_start3A_154] : memref<32x79x128xi32, #tpu.memory_space<hbm>> -> memref<1x79x128xi32, #tpu.memory_space<hbm>>
      %dma_start3A_156 = tpu.memref_squeeze %dma_start3A_155 : memref<1x79x128xi32, #tpu.memory_space<hbm>> -> memref<79x128xi32, #tpu.memory_space<hbm>>
      tpu.enqueue_dma source(%dma_start3A_156 : memref<79x128xi32, #tpu.memory_space<hbm>>) target(%arg6 : memref<79x128xi32, #tpu.memory_space<vmem>>) target_semaphore(%run_scoped3A : memref<!tpu.dma_semaphore, #tpu.memory_space<semaphore_mem>>)
      %dma_wait3A_157 = arith.constant 0 : i32
      %dma_wait3A_158 = arith.constant 0 : i32
      %dma_wait3A_159 = tpu.memref_slice %arg3[%add3A, %dma_wait3A_157, %dma_wait3A_158] : memref<32x79x128xi32, #tpu.memory_space<hbm>> -> memref<1x79x128xi32, #tpu.memory_space<hbm>>
      %dma_wait3A_160 = tpu.memref_squeeze %dma_wait3A_159 : memref<1x79x128xi32, #tpu.memory_space<hbm>> -> memref<79x128xi32, #tpu.memory_space<hbm>>
      %dma_wait3A_161 = arith.constant 0 : i32
      %dma_wait3A_162 = arith.constant 0 : i32
      %dma_wait3A_163 = tpu.memref_slice %arg3[%add3A, %dma_wait3A_161, %dma_wait3A_162] : memref<32x79x128xi32, #tpu.memory_space<hbm>> -> memref<1x79x128xi32, #tpu.memory_space<hbm>>
      %dma_wait3A_164 = tpu.memref_squeeze %dma_wait3A_163 : memref<1x79x128xi32, #tpu.memory_space<hbm>> -> memref<79x128xi32, #tpu.memory_space<hbm>>
      tpu.wait_dma2 semaphore(%run_scoped3A : memref<!tpu.dma_semaphore, #tpu.memory_space<semaphore_mem>>) src(%dma_wait3A_164 : memref<79x128xi32, #tpu.memory_space<hbm>>) dst(%arg6 : memref<79x128xi32, #tpu.memory_space<vmem>>)
      tpu.yield
    }) : () -> ()
    "tpu.region"() ({
      %run_scoped3A = tpu.sem_alloc : memref<!tpu.dma_semaphore, #tpu.memory_space<semaphore_mem>>
      %dma_start3A_149 = arith.constant 0 : i32
      %dma_start3A_150 = arith.constant 0 : i32
      %dma_start3A_151 = tpu.memref_slice %arg4[%add3A, %dma_start3A_149, %dma_start3A_150] : memref<32x79x128xi32, #tpu.memory_space<hbm>> -> memref<1x79x128xi32, #tpu.memory_space<hbm>>
      %dma_start3A_152 = tpu.memref_squeeze %dma_start3A_151 : memref<1x79x128xi32, #tpu.memory_space<hbm>> -> memref<79x128xi32, #tpu.memory_space<hbm>>
      %dma_start3A_153 = arith.constant 0 : i32
      %dma_start3A_154 = arith.constant 0 : i32
      %dma_start3A_155 = tpu.memref_slice %arg4[%add3A, %dma_start3A_153, %dma_start3A_154] : memref<32x79x128xi32, #tpu.memory_space<hbm>> -> memref<1x79x128xi32, #tpu.memory_space<hbm>>
      %dma_start3A_156 = tpu.memref_squeeze %dma_start3A_155 : memref<1x79x128xi32, #tpu.memory_space<hbm>> -> memref<79x128xi32, #tpu.memory_space<hbm>>
      tpu.enqueue_dma source(%dma_start3A_156 : memref<79x128xi32, #tpu.memory_space<hbm>>) target(%arg7 : memref<79x128xi32, #tpu.memory_space<vmem>>) target_semaphore(%run_scoped3A : memref<!tpu.dma_semaphore, #tpu.memory_space<semaphore_mem>>)
      %dma_wait3A_157 = arith.constant 0 : i32
      %dma_wait3A_158 = arith.constant 0 : i32
      %dma_wait3A_159 = tpu.memref_slice %arg4[%add3A, %dma_wait3A_157, %dma_wait3A_158] : memref<32x79x128xi32, #tpu.memory_space<hbm>> -> memref<1x79x128xi32, #tpu.memory_space<hbm>>
      %dma_wait3A_160 = tpu.memref_squeeze %dma_wait3A_159 : memref<1x79x128xi32, #tpu.memory_space<hbm>> -> memref<79x128xi32, #tpu.memory_space<hbm>>
      %dma_wait3A_161 = arith.constant 0 : i32
      %dma_wait3A_162 = arith.constant 0 : i32
      %dma_wait3A_163 = tpu.memref_slice %arg4[%add3A, %dma_wait3A_161, %dma_wait3A_162] : memref<32x79x128xi32, #tpu.memory_space<hbm>> -> memref<1x79x128xi32, #tpu.memory_space<hbm>>
      %dma_wait3A_164 = tpu.memref_squeeze %dma_wait3A_163 : memref<1x79x128xi32, #tpu.memory_space<hbm>> -> memref<79x128xi32, #tpu.memory_space<hbm>>
      tpu.wait_dma2 semaphore(%run_scoped3A : memref<!tpu.dma_semaphore, #tpu.memory_space<semaphore_mem>>) src(%dma_wait3A_164 : memref<79x128xi32, #tpu.memory_space<hbm>>) dst(%arg7 : memref<79x128xi32, #tpu.memory_space<vmem>>)
      tpu.yield
    }) : () -> ()
    %dma_wait3A = arith.constant 0 : i32
    %dma_wait3A_74 = arith.constant 0 : i32
    %dma_wait3A_75 = tpu.memref_slice %arg8[%dma_wait3A, %dma_wait3A_74] : memref<128x128xf32, #tpu.memory_space<vmem>> -> memref<128x128xf32, #tpu.memory_space<vmem>>
    %dma_wait3A_76 = arith.constant 0 : i32
    %dma_wait3A_77 = tpu.memref_slice %arg9[%add3A_8, %dma_wait3A_76] : memref<10112x128xf32, #tpu.memory_space<vmem_shared>> -> memref<128x128xf32, #tpu.memory_space<vmem_shared>>
    %dma_wait3A_78 = arith.constant 0 : i32
    %dma_wait3A_79 = tpu.memref_slice %arg9[%add3A_8, %dma_wait3A_78] : memref<10112x128xf32, #tpu.memory_space<vmem_shared>> -> memref<128x128xf32, #tpu.memory_space<vmem_shared>>
    %dma_wait3A_80 = arith.constant 0 : i32
    %dma_wait3A_81 = arith.constant 0 : i32
    %dma_wait3A_82 = tpu.memref_slice %arg8[%dma_wait3A_80, %dma_wait3A_81] : memref<128x128xf32, #tpu.memory_space<vmem>> -> memref<128x128xf32, #tpu.memory_space<vmem>>
    tpu.wait_dma2 semaphore(%arg10 : memref<!tpu.dma_semaphore, #tpu.memory_space<semaphore_mem>>) src(%dma_wait3A_82 : memref<128x128xf32, #tpu.memory_space<vmem>>) dst(%dma_wait3A_79 : memref<128x128xf32, #tpu.memory_space<vmem_shared>>)
    %dma_wait3A_83 = arith.constant 0 : i32
    %dma_wait3A_84 = arith.constant 0 : i32
    %dma_wait3A_85 = tpu.memref_slice %arg8[%dma_wait3A_83, %dma_wait3A_84] : memref<128x128xf32, #tpu.memory_space<vmem>> -> memref<128x128xf32, #tpu.memory_space<vmem>>
    %dma_wait3A_86 = arith.constant 0 : i32
    %dma_wait3A_87 = tpu.memref_slice %arg9[%add3A_21, %dma_wait3A_86] : memref<10112x128xf32, #tpu.memory_space<vmem_shared>> -> memref<128x128xf32, #tpu.memory_space<vmem_shared>>
    %dma_wait3A_88 = arith.constant 0 : i32
    %dma_wait3A_89 = tpu.memref_slice %arg9[%add3A_21, %dma_wait3A_88] : memref<10112x128xf32, #tpu.memory_space<vmem_shared>> -> memref<128x128xf32, #tpu.memory_space<vmem_shared>>
    %dma_wait3A_90 = arith.constant 0 : i32
    %dma_wait3A_91 = arith.constant 0 : i32
    %dma_wait3A_92 = tpu.memref_slice %arg8[%dma_wait3A_90, %dma_wait3A_91] : memref<128x128xf32, #tpu.memory_space<vmem>> -> memref<128x128xf32, #tpu.memory_space<vmem>>
    tpu.wait_dma2 semaphore(%arg10 : memref<!tpu.dma_semaphore, #tpu.memory_space<semaphore_mem>>) src(%dma_wait3A_92 : memref<128x128xf32, #tpu.memory_space<vmem>>) dst(%dma_wait3A_89 : memref<128x128xf32, #tpu.memory_space<vmem_shared>>)
    %dma_wait3A_93 = arith.constant 0 : i32
    %dma_wait3A_94 = arith.constant 0 : i32
    %dma_wait3A_95 = tpu.memref_slice %arg8[%dma_wait3A_93, %dma_wait3A_94] : memref<128x128xf32, #tpu.memory_space<vmem>> -> memref<128x128xf32, #tpu.memory_space<vmem>>
    %dma_wait3A_96 = arith.constant 0 : i32
    %dma_wait3A_97 = tpu.memref_slice %arg9[%add3A_35, %dma_wait3A_96] : memref<10112x128xf32, #tpu.memory_space<vmem_shared>> -> memref<128x128xf32, #tpu.memory_space<vmem_shared>>
    %dma_wait3A_98 = arith.constant 0 : i32
    %dma_wait3A_99 = tpu.memref_slice %arg9[%add3A_35, %dma_wait3A_98] : memref<10112x128xf32, #tpu.memory_space<vmem_shared>> -> memref<128x128xf32, #tpu.memory_space<vmem_shared>>
    %dma_wait3A_100 = arith.constant 0 : i32
    %dma_wait3A_101 = arith.constant 0 : i32
    %dma_wait3A_102 = tpu.memref_slice %arg8[%dma_wait3A_100, %dma_wait3A_101] : memref<128x128xf32, #tpu.memory_space<vmem>> -> memref<128x128xf32, #tpu.memory_space<vmem>>
    tpu.wait_dma2 semaphore(%arg10 : memref<!tpu.dma_semaphore, #tpu.memory_space<semaphore_mem>>) src(%dma_wait3A_102 : memref<128x128xf32, #tpu.memory_space<vmem>>) dst(%dma_wait3A_99 : memref<128x128xf32, #tpu.memory_space<vmem_shared>>)
    %dma_wait3A_103 = arith.constant 0 : i32
    %dma_wait3A_104 = arith.constant 0 : i32
    %dma_wait3A_105 = tpu.memref_slice %arg8[%dma_wait3A_103, %dma_wait3A_104] : memref<128x128xf32, #tpu.memory_space<vmem>> -> memref<128x128xf32, #tpu.memory_space<vmem>>
    %dma_wait3A_106 = arith.constant 0 : i32
    %dma_wait3A_107 = tpu.memref_slice %arg9[%add3A_49, %dma_wait3A_106] : memref<10112x128xf32, #tpu.memory_space<vmem_shared>> -> memref<128x128xf32, #tpu.memory_space<vmem_shared>>
    %dma_wait3A_108 = arith.constant 0 : i32
    %dma_wait3A_109 = tpu.memref_slice %arg9[%add3A_49, %dma_wait3A_108] : memref<10112x128xf32, #tpu.memory_space<vmem_shared>> -> memref<128x128xf32, #tpu.memory_space<vmem_shared>>
    %dma_wait3A_110 = arith.constant 0 : i32
    %dma_wait3A_111 = arith.constant 0 : i32
    %dma_wait3A_112 = tpu.memref_slice %arg8[%dma_wait3A_110, %dma_wait3A_111] : memref<128x128xf32, #tpu.memory_space<vmem>> -> memref<128x128xf32, #tpu.memory_space<vmem>>
    tpu.wait_dma2 semaphore(%arg10 : memref<!tpu.dma_semaphore, #tpu.memory_space<semaphore_mem>>) src(%dma_wait3A_112 : memref<128x128xf32, #tpu.memory_space<vmem>>) dst(%dma_wait3A_109 : memref<128x128xf32, #tpu.memory_space<vmem_shared>>)
    %dma_wait3A_113 = arith.constant 0 : i32
    %dma_wait3A_114 = arith.constant 0 : i32
    %dma_wait3A_115 = tpu.memref_slice %arg8[%dma_wait3A_113, %dma_wait3A_114] : memref<128x128xf32, #tpu.memory_space<vmem>> -> memref<120x128xf32, #tpu.memory_space<vmem>>
    %dma_wait3A_116 = arith.constant 0 : i32
    %dma_wait3A_117 = tpu.memref_slice %arg9[%add3A_63, %dma_wait3A_116] : memref<10112x128xf32, #tpu.memory_space<vmem_shared>> -> memref<120x128xf32, #tpu.memory_space<vmem_shared>>
    %dma_wait3A_118 = arith.constant 0 : i32
    %dma_wait3A_119 = tpu.memref_slice %arg9[%add3A_63, %dma_wait3A_118] : memref<10112x128xf32, #tpu.memory_space<vmem_shared>> -> memref<120x128xf32, #tpu.memory_space<vmem_shared>>
    %dma_wait3A_120 = arith.constant 0 : i32
    %dma_wait3A_121 = arith.constant 0 : i32
    %dma_wait3A_122 = tpu.memref_slice %arg8[%dma_wait3A_120, %dma_wait3A_121] : memref<128x128xf32, #tpu.memory_space<vmem>> -> memref<120x128xf32, #tpu.memory_space<vmem>>
    tpu.wait_dma2 semaphore(%arg10 : memref<!tpu.dma_semaphore, #tpu.memory_space<semaphore_mem>>) src(%dma_wait3A_122 : memref<120x128xf32, #tpu.memory_space<vmem>>) dst(%dma_wait3A_119 : memref<120x128xf32, #tpu.memory_space<vmem_shared>>)
    %barrier3A = arith.constant 0 : index
    tpu.barrier barrier_id(%barrier3A)
    %scan3A_123 = arith.constant 0 : i32
    %scan3A_124 = arith.constant 79 : i32
    %scan3A_125 = arith.addi %scan3A_123, %scan3A_124 : i32
    %scan3A_126 = arith.constant 1 : i32
    scf.for %scan3A_149 = %scan3A_123 to %scan3A_125 step %scan3A_126  : i32 {
      %dma_start3A_150 = arith.constant 0 : i32
      %dma_start3A_151 = tpu.memref_slice %arg6[%scan3A_149, %dma_start3A_150] : memref<79x128xi32, #tpu.memory_space<vmem>> -> memref<1x128xi32, #tpu.memory_space<vmem>>
      %dma_start3A_152 = tpu.memref_squeeze %dma_start3A_151 : memref<1x128xi32, #tpu.memory_space<vmem>> -> memref<128xi32, #tpu.memory_space<vmem>>
      %dma_start3A_153 = arith.constant 0 : i32
      %dma_start3A_154 = arith.constant 0 : i32
      %dma_start3A_155 = tpu.memref_slice %arg2[%dma_start3A_153, %dma_start3A_154] : memref<10000x128xf32, #tpu.memory_space<hbm>> -> memref<10000x128xf32, #tpu.memory_space<hbm>>
      tpu.enqueue_indirect_dma source(%dma_start3A_155 : memref<10000x128xf32, #tpu.memory_space<hbm>>) target(%arg8 : memref<128x128xf32, #tpu.memory_space<vmem>>) offsets(%dma_start3A_152 : memref<128xi32, #tpu.memory_space<vmem>>) semaphore(%arg10 : memref<!tpu.dma_semaphore, #tpu.memory_space<semaphore_mem>>)
      %dma_wait3A_156 = arith.constant 0 : i32
      %dma_wait3A_157 = tpu.memref_slice %arg6[%scan3A_149, %dma_wait3A_156] : memref<79x128xi32, #tpu.memory_space<vmem>> -> memref<1x128xi32, #tpu.memory_space<vmem>>
      %dma_wait3A_158 = tpu.memref_squeeze %dma_wait3A_157 : memref<1x128xi32, #tpu.memory_space<vmem>> -> memref<128xi32, #tpu.memory_space<vmem>>
      %dma_wait3A_159 = arith.constant 0 : i32
      %dma_wait3A_160 = arith.constant 0 : i32
      %dma_wait3A_161 = tpu.memref_slice %arg2[%dma_wait3A_159, %dma_wait3A_160] : memref<10000x128xf32, #tpu.memory_space<hbm>> -> memref<10000x128xf32, #tpu.memory_space<hbm>>
      tpu.wait_indirect_dma semaphore(%arg10 : memref<!tpu.dma_semaphore, #tpu.memory_space<semaphore_mem>>) src(%dma_wait3A_161 : memref<10000x128xf32, #tpu.memory_space<hbm>>) dst(%arg8 : memref<128x128xf32, #tpu.memory_space<vmem>>)
      "tpu.region"() ({
        %run_scoped3A = tpu.sem_alloc : memref<!tpu.dma_semaphore, #tpu.memory_space<semaphore_mem>>
        %dma_start3A_162 = arith.constant 0 : i32
        %dma_start3A_163 = tpu.memref_slice %arg7[%scan3A_149, %dma_start3A_162] : memref<79x128xi32, #tpu.memory_space<vmem>> -> memref<1x128xi32, #tpu.memory_space<vmem>>
        %dma_start3A_164 = tpu.memref_squeeze %dma_start3A_163 : memref<1x128xi32, #tpu.memory_space<vmem>> -> memref<128xi32, #tpu.memory_space<vmem>>
        %dma_start3A_165 = arith.constant 0 : i32
        %dma_start3A_166 = arith.constant 0 : i32
        %dma_start3A_167 = tpu.memref_slice %arg9[%dma_start3A_165, %dma_start3A_166] : memref<10112x128xf32, #tpu.memory_space<vmem_shared>> -> memref<10112x128xf32, #tpu.memory_space<vmem_shared>>
        tpu.enqueue_indirect_dma source(%arg8 : memref<128x128xf32, #tpu.memory_space<vmem>>) target(%dma_start3A_167 : memref<10112x128xf32, #tpu.memory_space<vmem_shared>>) offsets(%dma_start3A_164 : memref<128xi32, #tpu.memory_space<vmem>>) semaphore(%run_scoped3A : memref<!tpu.dma_semaphore, #tpu.memory_space<semaphore_mem>>) {add = true}
        %dma_wait3A_168 = arith.constant 0 : i32
        %dma_wait3A_169 = tpu.memref_slice %arg7[%scan3A_149, %dma_wait3A_168] : memref<79x128xi32, #tpu.memory_space<vmem>> -> memref<1x128xi32, #tpu.memory_space<vmem>>
        %dma_wait3A_170 = tpu.memref_squeeze %dma_wait3A_169 : memref<1x128xi32, #tpu.memory_space<vmem>> -> memref<128xi32, #tpu.memory_space<vmem>>
        %dma_wait3A_171 = arith.constant 0 : i32
        %dma_wait3A_172 = arith.constant 0 : i32
        %dma_wait3A_173 = tpu.memref_slice %arg9[%dma_wait3A_171, %dma_wait3A_172] : memref<10112x128xf32, #tpu.memory_space<vmem_shared>> -> memref<10112x128xf32, #tpu.memory_space<vmem_shared>>
        tpu.wait_indirect_dma semaphore(%run_scoped3A : memref<!tpu.dma_semaphore, #tpu.memory_space<semaphore_mem>>) src(%arg8 : memref<128x128xf32, #tpu.memory_space<vmem>>) dst(%dma_wait3A_173 : memref<10112x128xf32, #tpu.memory_space<vmem_shared>>)
        tpu.yield
      }) : () -> ()
    }
    %scan3A_127 = arith.constant 79 : i32
    %barrier3A_128 = arith.constant 0 : index
    tpu.barrier barrier_id(%barrier3A_128)
    %mul3A_129 = arith.constant 632 : i32
    %mul3A_130 = arith.muli %arg1, %mul3A_129 : i32
    %add3A_131 = arith.constant 0 : i32
    %add3A_132 = arith.addi %mul3A_130, %add3A_131 : i32
    "tpu.region"() ({
      %run_scoped3A = tpu.sem_alloc : memref<!tpu.dma_semaphore, #tpu.memory_space<semaphore_mem>>
      %dma_start3A_149 = arith.constant 0 : i32
      %dma_start3A_150 = arith.constant 0 : i32
      %dma_start3A_151 = tpu.memref_slice %arg8[%dma_start3A_149, %dma_start3A_150] : memref<128x128xf32, #tpu.memory_space<vmem>> -> memref<128x128xf32, #tpu.memory_space<vmem>>
      %dma_start3A_152 = arith.constant 0 : i32
      %dma_start3A_153 = tpu.memref_slice %arg9[%add3A_132, %dma_start3A_152] : memref<10112x128xf32, #tpu.memory_space<vmem_shared>> -> memref<128x128xf32, #tpu.memory_space<vmem_shared>>
      %dma_start3A_154 = arith.constant 0 : i32
      %dma_start3A_155 = arith.constant 0 : i32
      %dma_start3A_156 = tpu.memref_slice %arg8[%dma_start3A_154, %dma_start3A_155] : memref<128x128xf32, #tpu.memory_space<vmem>> -> memref<128x128xf32, #tpu.memory_space<vmem>>
      %dma_start3A_157 = arith.constant 0 : i32
      %dma_start3A_158 = tpu.memref_slice %arg9[%add3A_132, %dma_start3A_157] : memref<10112x128xf32, #tpu.memory_space<vmem_shared>> -> memref<128x128xf32, #tpu.memory_space<vmem_shared>>
      tpu.enqueue_dma source(%dma_start3A_158 : memref<128x128xf32, #tpu.memory_space<vmem_shared>>) target(%dma_start3A_156 : memref<128x128xf32, #tpu.memory_space<vmem>>) target_semaphore(%run_scoped3A : memref<!tpu.dma_semaphore, #tpu.memory_space<semaphore_mem>>)
      %dma_wait3A_159 = arith.constant 0 : i32
      %dma_wait3A_160 = arith.constant 0 : i32
      %dma_wait3A_161 = tpu.memref_slice %arg8[%dma_wait3A_159, %dma_wait3A_160] : memref<128x128xf32, #tpu.memory_space<vmem>> -> memref<128x128xf32, #tpu.memory_space<vmem>>
      %dma_wait3A_162 = arith.constant 0 : i32
      %dma_wait3A_163 = tpu.memref_slice %arg9[%add3A_132, %dma_wait3A_162] : memref<10112x128xf32, #tpu.memory_space<vmem_shared>> -> memref<128x128xf32, #tpu.memory_space<vmem_shared>>
      %dma_wait3A_164 = arith.constant 0 : i32
      %dma_wait3A_165 = arith.constant 0 : i32
      %dma_wait3A_166 = tpu.memref_slice %arg8[%dma_wait3A_164, %dma_wait3A_165] : memref<128x128xf32, #tpu.memory_space<vmem>> -> memref<128x128xf32, #tpu.memory_space<vmem>>
      %dma_wait3A_167 = arith.constant 0 : i32
      %dma_wait3A_168 = tpu.memref_slice %arg9[%add3A_132, %dma_wait3A_167] : memref<10112x128xf32, #tpu.memory_space<vmem_shared>> -> memref<128x128xf32, #tpu.memory_space<vmem_shared>>
      tpu.wait_dma2 semaphore(%run_scoped3A : memref<!tpu.dma_semaphore, #tpu.memory_space<semaphore_mem>>) src(%dma_wait3A_168 : memref<128x128xf32, #tpu.memory_space<vmem_shared>>) dst(%dma_wait3A_166 : memref<128x128xf32, #tpu.memory_space<vmem>>)
      tpu.yield
    }) : () -> ()
    "tpu.region"() ({
      %run_scoped3A = tpu.sem_alloc : memref<!tpu.dma_semaphore, #tpu.memory_space<semaphore_mem>>
      %dma_start3A_149 = arith.constant 0 : i32
      %dma_start3A_150 = arith.constant 0 : i32
      %dma_start3A_151 = tpu.memref_slice %arg8[%dma_start3A_149, %dma_start3A_150] : memref<128x128xf32, #tpu.memory_space<vmem>> -> memref<128x128xf32, #tpu.memory_space<vmem>>
      %dma_start3A_152 = arith.constant 0 : i32
      %dma_start3A_153 = arith.constant 0 : i32
      %dma_start3A_154 = tpu.memref_slice %arg5[%arg0, %dma_start3A_152, %dma_start3A_153] : memref<2x10112x128xf32, #tpu.memory_space<hbm>> -> memref<1x10112x128xf32, #tpu.memory_space<hbm>>
      %dma_start3A_155 = tpu.memref_squeeze %dma_start3A_154 : memref<1x10112x128xf32, #tpu.memory_space<hbm>> -> memref<10112x128xf32, #tpu.memory_space<hbm>>
      %dma_start3A_156 = arith.constant 0 : i32
      %dma_start3A_157 = tpu.memref_slice %dma_start3A_155[%add3A_132, %dma_start3A_156] : memref<10112x128xf32, #tpu.memory_space<hbm>> -> memref<128x128xf32, #tpu.memory_space<hbm>>
      %dma_start3A_158 = arith.constant 0 : i32
      %dma_start3A_159 = arith.constant 0 : i32
      %dma_start3A_160 = tpu.memref_slice %arg5[%arg0, %dma_start3A_158, %dma_start3A_159] : memref<2x10112x128xf32, #tpu.memory_space<hbm>> -> memref<1x10112x128xf32, #tpu.memory_space<hbm>>
      %dma_start3A_161 = tpu.memref_squeeze %dma_start3A_160 : memref<1x10112x128xf32, #tpu.memory_space<hbm>> -> memref<10112x128xf32, #tpu.memory_space<hbm>>
      %dma_start3A_162 = arith.constant 0 : i32
      %dma_start3A_163 = tpu.memref_slice %dma_start3A_161[%add3A_132, %dma_start3A_162] : memref<10112x128xf32, #tpu.memory_space<hbm>> -> memref<128x128xf32, #tpu.memory_space<hbm>>
      %dma_start3A_164 = arith.constant 0 : i32
      %dma_start3A_165 = arith.constant 0 : i32
      %dma_start3A_166 = tpu.memref_slice %arg8[%dma_start3A_164, %dma_start3A_165] : memref<128x128xf32, #tpu.memory_space<vmem>> -> memref<128x128xf32, #tpu.memory_space<vmem>>
      tpu.enqueue_dma source(%dma_start3A_166 : memref<128x128xf32, #tpu.memory_space<vmem>>) target(%dma_start3A_163 : memref<128x128xf32, #tpu.memory_space<hbm>>) target_semaphore(%run_scoped3A : memref<!tpu.dma_semaphore, #tpu.memory_space<semaphore_mem>>)
      %dma_wait3A_167 = arith.constant 0 : i32
      %dma_wait3A_168 = arith.constant 0 : i32
      %dma_wait3A_169 = tpu.memref_slice %arg8[%dma_wait3A_167, %dma_wait3A_168] : memref<128x128xf32, #tpu.memory_space<vmem>> -> memref<128x128xf32, #tpu.memory_space<vmem>>
      %dma_wait3A_170 = arith.constant 0 : i32
      %dma_wait3A_171 = arith.constant 0 : i32
      %dma_wait3A_172 = tpu.memref_slice %arg5[%arg0, %dma_wait3A_170, %dma_wait3A_171] : memref<2x10112x128xf32, #tpu.memory_space<hbm>> -> memref<1x10112x128xf32, #tpu.memory_space<hbm>>
      %dma_wait3A_173 = tpu.memref_squeeze %dma_wait3A_172 : memref<1x10112x128xf32, #tpu.memory_space<hbm>> -> memref<10112x128xf32, #tpu.memory_space<hbm>>
      %dma_wait3A_174 = arith.constant 0 : i32
      %dma_wait3A_175 = tpu.memref_slice %dma_wait3A_173[%add3A_132, %dma_wait3A_174] : memref<10112x128xf32, #tpu.memory_space<hbm>> -> memref<128x128xf32, #tpu.memory_space<hbm>>
      %dma_wait3A_176 = arith.constant 0 : i32
      %dma_wait3A_177 = arith.constant 0 : i32
      %dma_wait3A_178 = tpu.memref_slice %arg5[%arg0, %dma_wait3A_176, %dma_wait3A_177] : memref<2x10112x128xf32, #tpu.memory_space<hbm>> -> memref<1x10112x128xf32, #tpu.memory_space<hbm>>
      %dma_wait3A_179 = tpu.memref_squeeze %dma_wait3A_178 : memref<1x10112x128xf32, #tpu.memory_space<hbm>> -> memref<10112x128xf32, #tpu.memory_space<hbm>>
      %dma_wait3A_180 = arith.constant 0 : i32
      %dma_wait3A_181 = tpu.memref_slice %dma_wait3A_179[%add3A_132, %dma_wait3A_180] : memref<10112x128xf32, #tpu.memory_space<hbm>> -> memref<128x128xf32, #tpu.memory_space<hbm>>
      %dma_wait3A_182 = arith.constant 0 : i32
      %dma_wait3A_183 = arith.constant 0 : i32
      %dma_wait3A_184 = tpu.memref_slice %arg8[%dma_wait3A_182, %dma_wait3A_183] : memref<128x128xf32, #tpu.memory_space<vmem>> -> memref<128x128xf32, #tpu.memory_space<vmem>>
      tpu.wait_dma2 semaphore(%run_scoped3A : memref<!tpu.dma_semaphore, #tpu.memory_space<semaphore_mem>>) src(%dma_wait3A_184 : memref<128x128xf32, #tpu.memory_space<vmem>>) dst(%dma_wait3A_181 : memref<128x128xf32, #tpu.memory_space<hbm>>)
      tpu.yield
    }) : () -> ()
    %mul3A_133 = arith.constant 632 : i32
    %mul3A_134 = arith.muli %arg1, %mul3A_133 : i32
    %add3A_135 = arith.constant 128 : i32
    %add3A_136 = arith.addi %mul3A_134, %add3A_135 : i32
    "tpu.region"() ({
      %run_scoped3A = tpu.sem_alloc : memref<!tpu.dma_semaphore, #tpu.memory_space<semaphore_mem>>
      %dma_start3A_149 = arith.constant 0 : i32
      %dma_start3A_150 = arith.constant 0 : i32
      %dma_start3A_151 = tpu.memref_slice %arg8[%dma_start3A_149, %dma_start3A_150] : memref<128x128xf32, #tpu.memory_space<vmem>> -> memref<128x128xf32, #tpu.memory_space<vmem>>
      %dma_start3A_152 = arith.constant 0 : i32
      %dma_start3A_153 = tpu.memref_slice %arg9[%add3A_136, %dma_start3A_152] : memref<10112x128xf32, #tpu.memory_space<vmem_shared>> -> memref<128x128xf32, #tpu.memory_space<vmem_shared>>
      %dma_start3A_154 = arith.constant 0 : i32
      %dma_start3A_155 = arith.constant 0 : i32
      %dma_start3A_156 = tpu.memref_slice %arg8[%dma_start3A_154, %dma_start3A_155] : memref<128x128xf32, #tpu.memory_space<vmem>> -> memref<128x128xf32, #tpu.memory_space<vmem>>
      %dma_start3A_157 = arith.constant 0 : i32
      %dma_start3A_158 = tpu.memref_slice %arg9[%add3A_136, %dma_start3A_157] : memref<10112x128xf32, #tpu.memory_space<vmem_shared>> -> memref<128x128xf32, #tpu.memory_space<vmem_shared>>
      tpu.enqueue_dma source(%dma_start3A_158 : memref<128x128xf32, #tpu.memory_space<vmem_shared>>) target(%dma_start3A_156 : memref<128x128xf32, #tpu.memory_space<vmem>>) target_semaphore(%run_scoped3A : memref<!tpu.dma_semaphore, #tpu.memory_space<semaphore_mem>>)
      %dma_wait3A_159 = arith.constant 0 : i32
      %dma_wait3A_160 = arith.constant 0 : i32
      %dma_wait3A_161 = tpu.memref_slice %arg8[%dma_wait3A_159, %dma_wait3A_160] : memref<128x128xf32, #tpu.memory_space<vmem>> -> memref<128x128xf32, #tpu.memory_space<vmem>>
      %dma_wait3A_162 = arith.constant 0 : i32
      %dma_wait3A_163 = tpu.memref_slice %arg9[%add3A_136, %dma_wait3A_162] : memref<10112x128xf32, #tpu.memory_space<vmem_shared>> -> memref<128x128xf32, #tpu.memory_space<vmem_shared>>
      %dma_wait3A_164 = arith.constant 0 : i32
      %dma_wait3A_165 = arith.constant 0 : i32
      %dma_wait3A_166 = tpu.memref_slice %arg8[%dma_wait3A_164, %dma_wait3A_165] : memref<128x128xf32, #tpu.memory_space<vmem>> -> memref<128x128xf32, #tpu.memory_space<vmem>>
      %dma_wait3A_167 = arith.constant 0 : i32
      %dma_wait3A_168 = tpu.memref_slice %arg9[%add3A_136, %dma_wait3A_167] : memref<10112x128xf32, #tpu.memory_space<vmem_shared>> -> memref<128x128xf32, #tpu.memory_space<vmem_shared>>
      tpu.wait_dma2 semaphore(%run_scoped3A : memref<!tpu.dma_semaphore, #tpu.memory_space<semaphore_mem>>) src(%dma_wait3A_168 : memref<128x128xf32, #tpu.memory_space<vmem_shared>>) dst(%dma_wait3A_166 : memref<128x128xf32, #tpu.memory_space<vmem>>)
      tpu.yield
    }) : () -> ()
    "tpu.region"() ({
      %run_scoped3A = tpu.sem_alloc : memref<!tpu.dma_semaphore, #tpu.memory_space<semaphore_mem>>
      %dma_start3A_149 = arith.constant 0 : i32
      %dma_start3A_150 = arith.constant 0 : i32
      %dma_start3A_151 = tpu.memref_slice %arg8[%dma_start3A_149, %dma_start3A_150] : memref<128x128xf32, #tpu.memory_space<vmem>> -> memref<128x128xf32, #tpu.memory_space<vmem>>
      %dma_start3A_152 = arith.constant 0 : i32
      %dma_start3A_153 = arith.constant 0 : i32
      %dma_start3A_154 = tpu.memref_slice %arg5[%arg0, %dma_start3A_152, %dma_start3A_153] : memref<2x10112x128xf32, #tpu.memory_space<hbm>> -> memref<1x10112x128xf32, #tpu.memory_space<hbm>>
      %dma_start3A_155 = tpu.memref_squeeze %dma_start3A_154 : memref<1x10112x128xf32, #tpu.memory_space<hbm>> -> memref<10112x128xf32, #tpu.memory_space<hbm>>
      %dma_start3A_156 = arith.constant 0 : i32
      %dma_start3A_157 = tpu.memref_slice %dma_start3A_155[%add3A_136, %dma_start3A_156] : memref<10112x128xf32, #tpu.memory_space<hbm>> -> memref<128x128xf32, #tpu.memory_space<hbm>>
      %dma_start3A_158 = arith.constant 0 : i32
      %dma_start3A_159 = arith.constant 0 : i32
      %dma_start3A_160 = tpu.memref_slice %arg5[%arg0, %dma_start3A_158, %dma_start3A_159] : memref<2x10112x128xf32, #tpu.memory_space<hbm>> -> memref<1x10112x128xf32, #tpu.memory_space<hbm>>
      %dma_start3A_161 = tpu.memref_squeeze %dma_start3A_160 : memref<1x10112x128xf32, #tpu.memory_space<hbm>> -> memref<10112x128xf32, #tpu.memory_space<hbm>>
      %dma_start3A_162 = arith.constant 0 : i32
      %dma_start3A_163 = tpu.memref_slice %dma_start3A_161[%add3A_136, %dma_start3A_162] : memref<10112x128xf32, #tpu.memory_space<hbm>> -> memref<128x128xf32, #tpu.memory_space<hbm>>
      %dma_start3A_164 = arith.constant 0 : i32
      %dma_start3A_165 = arith.constant 0 : i32
      %dma_start3A_166 = tpu.memref_slice %arg8[%dma_start3A_164, %dma_start3A_165] : memref<128x128xf32, #tpu.memory_space<vmem>> -> memref<128x128xf32, #tpu.memory_space<vmem>>
      tpu.enqueue_dma source(%dma_start3A_166 : memref<128x128xf32, #tpu.memory_space<vmem>>) target(%dma_start3A_163 : memref<128x128xf32, #tpu.memory_space<hbm>>) target_semaphore(%run_scoped3A : memref<!tpu.dma_semaphore, #tpu.memory_space<semaphore_mem>>)
      %dma_wait3A_167 = arith.constant 0 : i32
      %dma_wait3A_168 = arith.constant 0 : i32
      %dma_wait3A_169 = tpu.memref_slice %arg8[%dma_wait3A_167, %dma_wait3A_168] : memref<128x128xf32, #tpu.memory_space<vmem>> -> memref<128x128xf32, #tpu.memory_space<vmem>>
      %dma_wait3A_170 = arith.constant 0 : i32
      %dma_wait3A_171 = arith.constant 0 : i32
      %dma_wait3A_172 = tpu.memref_slice %arg5[%arg0, %dma_wait3A_170, %dma_wait3A_171] : memref<2x10112x128xf32, #tpu.memory_space<hbm>> -> memref<1x10112x128xf32, #tpu.memory_space<hbm>>
      %dma_wait3A_173 = tpu.memref_squeeze %dma_wait3A_172 : memref<1x10112x128xf32, #tpu.memory_space<hbm>> -> memref<10112x128xf32, #tpu.memory_space<hbm>>
      %dma_wait3A_174 = arith.constant 0 : i32
      %dma_wait3A_175 = tpu.memref_slice %dma_wait3A_173[%add3A_136, %dma_wait3A_174] : memref<10112x128xf32, #tpu.memory_space<hbm>> -> memref<128x128xf32, #tpu.memory_space<hbm>>
      %dma_wait3A_176 = arith.constant 0 : i32
      %dma_wait3A_177 = arith.constant 0 : i32
      %dma_wait3A_178 = tpu.memref_slice %arg5[%arg0, %dma_wait3A_176, %dma_wait3A_177] : memref<2x10112x128xf32, #tpu.memory_space<hbm>> -> memref<1x10112x128xf32, #tpu.memory_space<hbm>>
      %dma_wait3A_179 = tpu.memref_squeeze %dma_wait3A_178 : memref<1x10112x128xf32, #tpu.memory_space<hbm>> -> memref<10112x128xf32, #tpu.memory_space<hbm>>
      %dma_wait3A_180 = arith.constant 0 : i32
      %dma_wait3A_181 = tpu.memref_slice %dma_wait3A_179[%add3A_136, %dma_wait3A_180] : memref<10112x128xf32, #tpu.memory_space<hbm>> -> memref<128x128xf32, #tpu.memory_space<hbm>>
      %dma_wait3A_182 = arith.constant 0 : i32
      %dma_wait3A_183 = arith.constant 0 : i32
      %dma_wait3A_184 = tpu.memref_slice %arg8[%dma_wait3A_182, %dma_wait3A_183] : memref<128x128xf32, #tpu.memory_space<vmem>> -> memref<128x128xf32, #tpu.memory_space<vmem>>
      tpu.wait_dma2 semaphore(%run_scoped3A : memref<!tpu.dma_semaphore, #tpu.memory_space<semaphore_mem>>) src(%dma_wait3A_184 : memref<128x128xf32, #tpu.memory_space<vmem>>) dst(%dma_wait3A_181 : memref<128x128xf32, #tpu.memory_space<hbm>>)
      tpu.yield
    }) : () -> ()
    %mul3A_137 = arith.constant 632 : i32
    %mul3A_138 = arith.muli %arg1, %mul3A_137 : i32
    %add3A_139 = arith.constant 256 : i32
    %add3A_140 = arith.addi %mul3A_138, %add3A_139 : i32
    "tpu.region"() ({
      %run_scoped3A = tpu.sem_alloc : memref<!tpu.dma_semaphore, #tpu.memory_space<semaphore_mem>>
      %dma_start3A_149 = arith.constant 0 : i32
      %dma_start3A_150 = arith.constant 0 : i32
      %dma_start3A_151 = tpu.memref_slice %arg8[%dma_start3A_149, %dma_start3A_150] : memref<128x128xf32, #tpu.memory_space<vmem>> -> memref<128x128xf32, #tpu.memory_space<vmem>>
      %dma_start3A_152 = arith.constant 0 : i32
      %dma_start3A_153 = tpu.memref_slice %arg9[%add3A_140, %dma_start3A_152] : memref<10112x128xf32, #tpu.memory_space<vmem_shared>> -> memref<128x128xf32, #tpu.memory_space<vmem_shared>>
      %dma_start3A_154 = arith.constant 0 : i32
      %dma_start3A_155 = arith.constant 0 : i32
      %dma_start3A_156 = tpu.memref_slice %arg8[%dma_start3A_154, %dma_start3A_155] : memref<128x128xf32, #tpu.memory_space<vmem>> -> memref<128x128xf32, #tpu.memory_space<vmem>>
      %dma_start3A_157 = arith.constant 0 : i32
      %dma_start3A_158 = tpu.memref_slice %arg9[%add3A_140, %dma_start3A_157] : memref<10112x128xf32, #tpu.memory_space<vmem_shared>> -> memref<128x128xf32, #tpu.memory_space<vmem_shared>>
      tpu.enqueue_dma source(%dma_start3A_158 : memref<128x128xf32, #tpu.memory_space<vmem_shared>>) target(%dma_start3A_156 : memref<128x128xf32, #tpu.memory_space<vmem>>) target_semaphore(%run_scoped3A : memref<!tpu.dma_semaphore, #tpu.memory_space<semaphore_mem>>)
      %dma_wait3A_159 = arith.constant 0 : i32
      %dma_wait3A_160 = arith.constant 0 : i32
      %dma_wait3A_161 = tpu.memref_slice %arg8[%dma_wait3A_159, %dma_wait3A_160] : memref<128x128xf32, #tpu.memory_space<vmem>> -> memref<128x128xf32, #tpu.memory_space<vmem>>
      %dma_wait3A_162 = arith.constant 0 : i32
      %dma_wait3A_163 = tpu.memref_slice %arg9[%add3A_140, %dma_wait3A_162] : memref<10112x128xf32, #tpu.memory_space<vmem_shared>> -> memref<128x128xf32, #tpu.memory_space<vmem_shared>>
      %dma_wait3A_164 = arith.constant 0 : i32
      %dma_wait3A_165 = arith.constant 0 : i32
      %dma_wait3A_166 = tpu.memref_slice %arg8[%dma_wait3A_164, %dma_wait3A_165] : memref<128x128xf32, #tpu.memory_space<vmem>> -> memref<128x128xf32, #tpu.memory_space<vmem>>
      %dma_wait3A_167 = arith.constant 0 : i32
      %dma_wait3A_168 = tpu.memref_slice %arg9[%add3A_140, %dma_wait3A_167] : memref<10112x128xf32, #tpu.memory_space<vmem_shared>> -> memref<128x128xf32, #tpu.memory_space<vmem_shared>>
      tpu.wait_dma2 semaphore(%run_scoped3A : memref<!tpu.dma_semaphore, #tpu.memory_space<semaphore_mem>>) src(%dma_wait3A_168 : memref<128x128xf32, #tpu.memory_space<vmem_shared>>) dst(%dma_wait3A_166 : memref<128x128xf32, #tpu.memory_space<vmem>>)
      tpu.yield
    }) : () -> ()
    "tpu.region"() ({
      %run_scoped3A = tpu.sem_alloc : memref<!tpu.dma_semaphore, #tpu.memory_space<semaphore_mem>>
      %dma_start3A_149 = arith.constant 0 : i32
      %dma_start3A_150 = arith.constant 0 : i32
      %dma_start3A_151 = tpu.memref_slice %arg8[%dma_start3A_149, %dma_start3A_150] : memref<128x128xf32, #tpu.memory_space<vmem>> -> memref<128x128xf32, #tpu.memory_space<vmem>>
      %dma_start3A_152 = arith.constant 0 : i32
      %dma_start3A_153 = arith.constant 0 : i32
      %dma_start3A_154 = tpu.memref_slice %arg5[%arg0, %dma_start3A_152, %dma_start3A_153] : memref<2x10112x128xf32, #tpu.memory_space<hbm>> -> memref<1x10112x128xf32, #tpu.memory_space<hbm>>
      %dma_start3A_155 = tpu.memref_squeeze %dma_start3A_154 : memref<1x10112x128xf32, #tpu.memory_space<hbm>> -> memref<10112x128xf32, #tpu.memory_space<hbm>>
      %dma_start3A_156 = arith.constant 0 : i32
      %dma_start3A_157 = tpu.memref_slice %dma_start3A_155[%add3A_140, %dma_start3A_156] : memref<10112x128xf32, #tpu.memory_space<hbm>> -> memref<128x128xf32, #tpu.memory_space<hbm>>
      %dma_start3A_158 = arith.constant 0 : i32
      %dma_start3A_159 = arith.constant 0 : i32
      %dma_start3A_160 = tpu.memref_slice %arg5[%arg0, %dma_start3A_158, %dma_start3A_159] : memref<2x10112x128xf32, #tpu.memory_space<hbm>> -> memref<1x10112x128xf32, #tpu.memory_space<hbm>>
      %dma_start3A_161 = tpu.memref_squeeze %dma_start3A_160 : memref<1x10112x128xf32, #tpu.memory_space<hbm>> -> memref<10112x128xf32, #tpu.memory_space<hbm>>
      %dma_start3A_162 = arith.constant 0 : i32
      %dma_start3A_163 = tpu.memref_slice %dma_start3A_161[%add3A_140, %dma_start3A_162] : memref<10112x128xf32, #tpu.memory_space<hbm>> -> memref<128x128xf32, #tpu.memory_space<hbm>>
      %dma_start3A_164 = arith.constant 0 : i32
      %dma_start3A_165 = arith.constant 0 : i32
      %dma_start3A_166 = tpu.memref_slice %arg8[%dma_start3A_164, %dma_start3A_165] : memref<128x128xf32, #tpu.memory_space<vmem>> -> memref<128x128xf32, #tpu.memory_space<vmem>>
      tpu.enqueue_dma source(%dma_start3A_166 : memref<128x128xf32, #tpu.memory_space<vmem>>) target(%dma_start3A_163 : memref<128x128xf32, #tpu.memory_space<hbm>>) target_semaphore(%run_scoped3A : memref<!tpu.dma_semaphore, #tpu.memory_space<semaphore_mem>>)
      %dma_wait3A_167 = arith.constant 0 : i32
      %dma_wait3A_168 = arith.constant 0 : i32
      %dma_wait3A_169 = tpu.memref_slice %arg8[%dma_wait3A_167, %dma_wait3A_168] : memref<128x128xf32, #tpu.memory_space<vmem>> -> memref<128x128xf32, #tpu.memory_space<vmem>>
      %dma_wait3A_170 = arith.constant 0 : i32
      %dma_wait3A_171 = arith.constant 0 : i32
      %dma_wait3A_172 = tpu.memref_slice %arg5[%arg0, %dma_wait3A_170, %dma_wait3A_171] : memref<2x10112x128xf32, #tpu.memory_space<hbm>> -> memref<1x10112x128xf32, #tpu.memory_space<hbm>>
      %dma_wait3A_173 = tpu.memref_squeeze %dma_wait3A_172 : memref<1x10112x128xf32, #tpu.memory_space<hbm>> -> memref<10112x128xf32, #tpu.memory_space<hbm>>
      %dma_wait3A_174 = arith.constant 0 : i32
      %dma_wait3A_175 = tpu.memref_slice %dma_wait3A_173[%add3A_140, %dma_wait3A_174] : memref<10112x128xf32, #tpu.memory_space<hbm>> -> memref<128x128xf32, #tpu.memory_space<hbm>>
      %dma_wait3A_176 = arith.constant 0 : i32
      %dma_wait3A_177 = arith.constant 0 : i32
      %dma_wait3A_178 = tpu.memref_slice %arg5[%arg0, %dma_wait3A_176, %dma_wait3A_177] : memref<2x10112x128xf32, #tpu.memory_space<hbm>> -> memref<1x10112x128xf32, #tpu.memory_space<hbm>>
      %dma_wait3A_179 = tpu.memref_squeeze %dma_wait3A_178 : memref<1x10112x128xf32, #tpu.memory_space<hbm>> -> memref<10112x128xf32, #tpu.memory_space<hbm>>
      %dma_wait3A_180 = arith.constant 0 : i32
      %dma_wait3A_181 = tpu.memref_slice %dma_wait3A_179[%add3A_140, %dma_wait3A_180] : memref<10112x128xf32, #tpu.memory_space<hbm>> -> memref<128x128xf32, #tpu.memory_space<hbm>>
      %dma_wait3A_182 = arith.constant 0 : i32
      %dma_wait3A_183 = arith.constant 0 : i32
      %dma_wait3A_184 = tpu.memref_slice %arg8[%dma_wait3A_182, %dma_wait3A_183] : memref<128x128xf32, #tpu.memory_space<vmem>> -> memref<128x128xf32, #tpu.memory_space<vmem>>
      tpu.wait_dma2 semaphore(%run_scoped3A : memref<!tpu.dma_semaphore, #tpu.memory_space<semaphore_mem>>) src(%dma_wait3A_184 : memref<128x128xf32, #tpu.memory_space<vmem>>) dst(%dma_wait3A_181 : memref<128x128xf32, #tpu.memory_space<hbm>>)
      tpu.yield
    }) : () -> ()
    %mul3A_141 = arith.constant 632 : i32
    %mul3A_142 = arith.muli %arg1, %mul3A_141 : i32
    %add3A_143 = arith.constant 384 : i32
    %add3A_144 = arith.addi %mul3A_142, %add3A_143 : i32
    "tpu.region"() ({
      %run_scoped3A = tpu.sem_alloc : memref<!tpu.dma_semaphore, #tpu.memory_space<semaphore_mem>>
      %dma_start3A_149 = arith.constant 0 : i32
      %dma_start3A_150 = arith.constant 0 : i32
      %dma_start3A_151 = tpu.memref_slice %arg8[%dma_start3A_149, %dma_start3A_150] : memref<128x128xf32, #tpu.memory_space<vmem>> -> memref<128x128xf32, #tpu.memory_space<vmem>>
      %dma_start3A_152 = arith.constant 0 : i32
      %dma_start3A_153 = tpu.memref_slice %arg9[%add3A_144, %dma_start3A_152] : memref<10112x128xf32, #tpu.memory_space<vmem_shared>> -> memref<128x128xf32, #tpu.memory_space<vmem_shared>>
      %dma_start3A_154 = arith.constant 0 : i32
      %dma_start3A_155 = arith.constant 0 : i32
      %dma_start3A_156 = tpu.memref_slice %arg8[%dma_start3A_154, %dma_start3A_155] : memref<128x128xf32, #tpu.memory_space<vmem>> -> memref<128x128xf32, #tpu.memory_space<vmem>>
      %dma_start3A_157 = arith.constant 0 : i32
      %dma_start3A_158 = tpu.memref_slice %arg9[%add3A_144, %dma_start3A_157] : memref<10112x128xf32, #tpu.memory_space<vmem_shared>> -> memref<128x128xf32, #tpu.memory_space<vmem_shared>>
      tpu.enqueue_dma source(%dma_start3A_158 : memref<128x128xf32, #tpu.memory_space<vmem_shared>>) target(%dma_start3A_156 : memref<128x128xf32, #tpu.memory_space<vmem>>) target_semaphore(%run_scoped3A : memref<!tpu.dma_semaphore, #tpu.memory_space<semaphore_mem>>)
      %dma_wait3A_159 = arith.constant 0 : i32
      %dma_wait3A_160 = arith.constant 0 : i32
      %dma_wait3A_161 = tpu.memref_slice %arg8[%dma_wait3A_159, %dma_wait3A_160] : memref<128x128xf32, #tpu.memory_space<vmem>> -> memref<128x128xf32, #tpu.memory_space<vmem>>
      %dma_wait3A_162 = arith.constant 0 : i32
      %dma_wait3A_163 = tpu.memref_slice %arg9[%add3A_144, %dma_wait3A_162] : memref<10112x128xf32, #tpu.memory_space<vmem_shared>> -> memref<128x128xf32, #tpu.memory_space<vmem_shared>>
      %dma_wait3A_164 = arith.constant 0 : i32
      %dma_wait3A_165 = arith.constant 0 : i32
      %dma_wait3A_166 = tpu.memref_slice %arg8[%dma_wait3A_164, %dma_wait3A_165] : memref<128x128xf32, #tpu.memory_space<vmem>> -> memref<128x128xf32, #tpu.memory_space<vmem>>
      %dma_wait3A_167 = arith.constant 0 : i32
      %dma_wait3A_168 = tpu.memref_slice %arg9[%add3A_144, %dma_wait3A_167] : memref<10112x128xf32, #tpu.memory_space<vmem_shared>> -> memref<128x128xf32, #tpu.memory_space<vmem_shared>>
      tpu.wait_dma2 semaphore(%run_scoped3A : memref<!tpu.dma_semaphore, #tpu.memory_space<semaphore_mem>>) src(%dma_wait3A_168 : memref<128x128xf32, #tpu.memory_space<vmem_shared>>) dst(%dma_wait3A_166 : memref<128x128xf32, #tpu.memory_space<vmem>>)
      tpu.yield
    }) : () -> ()
    "tpu.region"() ({
      %run_scoped3A = tpu.sem_alloc : memref<!tpu.dma_semaphore, #tpu.memory_space<semaphore_mem>>
      %dma_start3A_149 = arith.constant 0 : i32
      %dma_start3A_150 = arith.constant 0 : i32
      %dma_start3A_151 = tpu.memref_slice %arg8[%dma_start3A_149, %dma_start3A_150] : memref<128x128xf32, #tpu.memory_space<vmem>> -> memref<128x128xf32, #tpu.memory_space<vmem>>
      %dma_start3A_152 = arith.constant 0 : i32
      %dma_start3A_153 = arith.constant 0 : i32
      %dma_start3A_154 = tpu.memref_slice %arg5[%arg0, %dma_start3A_152, %dma_start3A_153] : memref<2x10112x128xf32, #tpu.memory_space<hbm>> -> memref<1x10112x128xf32, #tpu.memory_space<hbm>>
      %dma_start3A_155 = tpu.memref_squeeze %dma_start3A_154 : memref<1x10112x128xf32, #tpu.memory_space<hbm>> -> memref<10112x128xf32, #tpu.memory_space<hbm>>
      %dma_start3A_156 = arith.constant 0 : i32
      %dma_start3A_157 = tpu.memref_slice %dma_start3A_155[%add3A_144, %dma_start3A_156] : memref<10112x128xf32, #tpu.memory_space<hbm>> -> memref<128x128xf32, #tpu.memory_space<hbm>>
      %dma_start3A_158 = arith.constant 0 : i32
      %dma_start3A_159 = arith.constant 0 : i32
      %dma_start3A_160 = tpu.memref_slice %arg5[%arg0, %dma_start3A_158, %dma_start3A_159] : memref<2x10112x128xf32, #tpu.memory_space<hbm>> -> memref<1x10112x128xf32, #tpu.memory_space<hbm>>
      %dma_start3A_161 = tpu.memref_squeeze %dma_start3A_160 : memref<1x10112x128xf32, #tpu.memory_space<hbm>> -> memref<10112x128xf32, #tpu.memory_space<hbm>>
      %dma_start3A_162 = arith.constant 0 : i32
      %dma_start3A_163 = tpu.memref_slice %dma_start3A_161[%add3A_144, %dma_start3A_162] : memref<10112x128xf32, #tpu.memory_space<hbm>> -> memref<128x128xf32, #tpu.memory_space<hbm>>
      %dma_start3A_164 = arith.constant 0 : i32
      %dma_start3A_165 = arith.constant 0 : i32
      %dma_start3A_166 = tpu.memref_slice %arg8[%dma_start3A_164, %dma_start3A_165] : memref<128x128xf32, #tpu.memory_space<vmem>> -> memref<128x128xf32, #tpu.memory_space<vmem>>
      tpu.enqueue_dma source(%dma_start3A_166 : memref<128x128xf32, #tpu.memory_space<vmem>>) target(%dma_start3A_163 : memref<128x128xf32, #tpu.memory_space<hbm>>) target_semaphore(%run_scoped3A : memref<!tpu.dma_semaphore, #tpu.memory_space<semaphore_mem>>)
      %dma_wait3A_167 = arith.constant 0 : i32
      %dma_wait3A_168 = arith.constant 0 : i32
      %dma_wait3A_169 = tpu.memref_slice %arg8[%dma_wait3A_167, %dma_wait3A_168] : memref<128x128xf32, #tpu.memory_space<vmem>> -> memref<128x128xf32, #tpu.memory_space<vmem>>
      %dma_wait3A_170 = arith.constant 0 : i32
      %dma_wait3A_171 = arith.constant 0 : i32
      %dma_wait3A_172 = tpu.memref_slice %arg5[%arg0, %dma_wait3A_170, %dma_wait3A_171] : memref<2x10112x128xf32, #tpu.memory_space<hbm>> -> memref<1x10112x128xf32, #tpu.memory_space<hbm>>
      %dma_wait3A_173 = tpu.memref_squeeze %dma_wait3A_172 : memref<1x10112x128xf32, #tpu.memory_space<hbm>> -> memref<10112x128xf32, #tpu.memory_space<hbm>>
      %dma_wait3A_174 = arith.constant 0 : i32
      %dma_wait3A_175 = tpu.memref_slice %dma_wait3A_173[%add3A_144, %dma_wait3A_174] : memref<10112x128xf32, #tpu.memory_space<hbm>> -> memref<128x128xf32, #tpu.memory_space<hbm>>
      %dma_wait3A_176 = arith.constant 0 : i32
      %dma_wait3A_177 = arith.constant 0 : i32
      %dma_wait3A_178 = tpu.memref_slice %arg5[%arg0, %dma_wait3A_176, %dma_wait3A_177] : memref<2x10112x128xf32, #tpu.memory_space<hbm>> -> memref<1x10112x128xf32, #tpu.memory_space<hbm>>
      %dma_wait3A_179 = tpu.memref_squeeze %dma_wait3A_178 : memref<1x10112x128xf32, #tpu.memory_space<hbm>> -> memref<10112x128xf32, #tpu.memory_space<hbm>>
      %dma_wait3A_180 = arith.constant 0 : i32
      %dma_wait3A_181 = tpu.memref_slice %dma_wait3A_179[%add3A_144, %dma_wait3A_180] : memref<10112x128xf32, #tpu.memory_space<hbm>> -> memref<128x128xf32, #tpu.memory_space<hbm>>
      %dma_wait3A_182 = arith.constant 0 : i32
      %dma_wait3A_183 = arith.constant 0 : i32
      %dma_wait3A_184 = tpu.memref_slice %arg8[%dma_wait3A_182, %dma_wait3A_183] : memref<128x128xf32, #tpu.memory_space<vmem>> -> memref<128x128xf32, #tpu.memory_space<vmem>>
      tpu.wait_dma2 semaphore(%run_scoped3A : memref<!tpu.dma_semaphore, #tpu.memory_space<semaphore_mem>>) src(%dma_wait3A_184 : memref<128x128xf32, #tpu.memory_space<vmem>>) dst(%dma_wait3A_181 : memref<128x128xf32, #tpu.memory_space<hbm>>)
      tpu.yield
    }) : () -> ()
    %mul3A_145 = arith.constant 632 : i32
    %mul3A_146 = arith.muli %arg1, %mul3A_145 : i32
    %add3A_147 = arith.constant 512 : i32
    %add3A_148 = arith.addi %mul3A_146, %add3A_147 : i32
    "tpu.region"() ({
      %run_scoped3A = tpu.sem_alloc : memref<!tpu.dma_semaphore, #tpu.memory_space<semaphore_mem>>
      %dma_start3A_149 = arith.constant 0 : i32
      %dma_start3A_150 = arith.constant 0 : i32
      %dma_start3A_151 = tpu.memref_slice %arg8[%dma_start3A_149, %dma_start3A_150] : memref<128x128xf32, #tpu.memory_space<vmem>> -> memref<120x128xf32, #tpu.memory_space<vmem>>
      %dma_start3A_152 = arith.constant 0 : i32
      %dma_start3A_153 = tpu.memref_slice %arg9[%add3A_148, %dma_start3A_152] : memref<10112x128xf32, #tpu.memory_space<vmem_shared>> -> memref<120x128xf32, #tpu.memory_space<vmem_shared>>
      %dma_start3A_154 = arith.constant 0 : i32
      %dma_start3A_155 = arith.constant 0 : i32
      %dma_start3A_156 = tpu.memref_slice %arg8[%dma_start3A_154, %dma_start3A_155] : memref<128x128xf32, #tpu.memory_space<vmem>> -> memref<120x128xf32, #tpu.memory_space<vmem>>
      %dma_start3A_157 = arith.constant 0 : i32
      %dma_start3A_158 = tpu.memref_slice %arg9[%add3A_148, %dma_start3A_157] : memref<10112x128xf32, #tpu.memory_space<vmem_shared>> -> memref<120x128xf32, #tpu.memory_space<vmem_shared>>
      tpu.enqueue_dma source(%dma_start3A_158 : memref<120x128xf32, #tpu.memory_space<vmem_shared>>) target(%dma_start3A_156 : memref<120x128xf32, #tpu.memory_space<vmem>>) target_semaphore(%run_scoped3A : memref<!tpu.dma_semaphore, #tpu.memory_space<semaphore_mem>>)
      %dma_wait3A_159 = arith.constant 0 : i32
      %dma_wait3A_160 = arith.constant 0 : i32
      %dma_wait3A_161 = tpu.memref_slice %arg8[%dma_wait3A_159, %dma_wait3A_160] : memref<128x128xf32, #tpu.memory_space<vmem>> -> memref<120x128xf32, #tpu.memory_space<vmem>>
      %dma_wait3A_162 = arith.constant 0 : i32
      %dma_wait3A_163 = tpu.memref_slice %arg9[%add3A_148, %dma_wait3A_162] : memref<10112x128xf32, #tpu.memory_space<vmem_shared>> -> memref<120x128xf32, #tpu.memory_space<vmem_shared>>
      %dma_wait3A_164 = arith.constant 0 : i32
      %dma_wait3A_165 = arith.constant 0 : i32
      %dma_wait3A_166 = tpu.memref_slice %arg8[%dma_wait3A_164, %dma_wait3A_165] : memref<128x128xf32, #tpu.memory_space<vmem>> -> memref<120x128xf32, #tpu.memory_space<vmem>>
      %dma_wait3A_167 = arith.constant 0 : i32
      %dma_wait3A_168 = tpu.memref_slice %arg9[%add3A_148, %dma_wait3A_167] : memref<10112x128xf32, #tpu.memory_space<vmem_shared>> -> memref<120x128xf32, #tpu.memory_space<vmem_shared>>
      tpu.wait_dma2 semaphore(%run_scoped3A : memref<!tpu.dma_semaphore, #tpu.memory_space<semaphore_mem>>) src(%dma_wait3A_168 : memref<120x128xf32, #tpu.memory_space<vmem_shared>>) dst(%dma_wait3A_166 : memref<120x128xf32, #tpu.memory_space<vmem>>)
      tpu.yield
    }) : () -> ()
    "tpu.region"() ({
      %run_scoped3A = tpu.sem_alloc : memref<!tpu.dma_semaphore, #tpu.memory_space<semaphore_mem>>
      %dma_start3A_149 = arith.constant 0 : i32
      %dma_start3A_150 = arith.constant 0 : i32
      %dma_start3A_151 = tpu.memref_slice %arg8[%dma_start3A_149, %dma_start3A_150] : memref<128x128xf32, #tpu.memory_space<vmem>> -> memref<120x128xf32, #tpu.memory_space<vmem>>
      %dma_start3A_152 = arith.constant 0 : i32
      %dma_start3A_153 = arith.constant 0 : i32
      %dma_start3A_154 = tpu.memref_slice %arg5[%arg0, %dma_start3A_152, %dma_start3A_153] : memref<2x10112x128xf32, #tpu.memory_space<hbm>> -> memref<1x10112x128xf32, #tpu.memory_space<hbm>>
      %dma_start3A_155 = tpu.memref_squeeze %dma_start3A_154 : memref<1x10112x128xf32, #tpu.memory_space<hbm>> -> memref<10112x128xf32, #tpu.memory_space<hbm>>
      %dma_start3A_156 = arith.constant 0 : i32
      %dma_start3A_157 = tpu.memref_slice %dma_start3A_155[%add3A_148, %dma_start3A_156] : memref<10112x128xf32, #tpu.memory_space<hbm>> -> memref<120x128xf32, #tpu.memory_space<hbm>>
      %dma_start3A_158 = arith.constant 0 : i32
      %dma_start3A_159 = arith.constant 0 : i32
      %dma_start3A_160 = tpu.memref_slice %arg5[%arg0, %dma_start3A_158, %dma_start3A_159] : memref<2x10112x128xf32, #tpu.memory_space<hbm>> -> memref<1x10112x128xf32, #tpu.memory_space<hbm>>
      %dma_start3A_161 = tpu.memref_squeeze %dma_start3A_160 : memref<1x10112x128xf32, #tpu.memory_space<hbm>> -> memref<10112x128xf32, #tpu.memory_space<hbm>>
      %dma_start3A_162 = arith.constant 0 : i32
      %dma_start3A_163 = tpu.memref_slice %dma_start3A_161[%add3A_148, %dma_start3A_162] : memref<10112x128xf32, #tpu.memory_space<hbm>> -> memref<120x128xf32, #tpu.memory_space<hbm>>
      %dma_start3A_164 = arith.constant 0 : i32
      %dma_start3A_165 = arith.constant 0 : i32
      %dma_start3A_166 = tpu.memref_slice %arg8[%dma_start3A_164, %dma_start3A_165] : memref<128x128xf32, #tpu.memory_space<vmem>> -> memref<120x128xf32, #tpu.memory_space<vmem>>
      tpu.enqueue_dma source(%dma_start3A_166 : memref<120x128xf32, #tpu.memory_space<vmem>>) target(%dma_start3A_163 : memref<120x128xf32, #tpu.memory_space<hbm>>) target_semaphore(%run_scoped3A : memref<!tpu.dma_semaphore, #tpu.memory_space<semaphore_mem>>)
      %dma_wait3A_167 = arith.constant 0 : i32
      %dma_wait3A_168 = arith.constant 0 : i32
      %dma_wait3A_169 = tpu.memref_slice %arg8[%dma_wait3A_167, %dma_wait3A_168] : memref<128x128xf32, #tpu.memory_space<vmem>> -> memref<120x128xf32, #tpu.memory_space<vmem>>
      %dma_wait3A_170 = arith.constant 0 : i32
      %dma_wait3A_171 = arith.constant 0 : i32
      %dma_wait3A_172 = tpu.memref_slice %arg5[%arg0, %dma_wait3A_170, %dma_wait3A_171] : memref<2x10112x128xf32, #tpu.memory_space<hbm>> -> memref<1x10112x128xf32, #tpu.memory_space<hbm>>
      %dma_wait3A_173 = tpu.memref_squeeze %dma_wait3A_172 : memref<1x10112x128xf32, #tpu.memory_space<hbm>> -> memref<10112x128xf32, #tpu.memory_space<hbm>>
      %dma_wait3A_174 = arith.constant 0 : i32
      %dma_wait3A_175 = tpu.memref_slice %dma_wait3A_173[%add3A_148, %dma_wait3A_174] : memref<10112x128xf32, #tpu.memory_space<hbm>> -> memref<120x128xf32, #tpu.memory_space<hbm>>
      %dma_wait3A_176 = arith.constant 0 : i32
      %dma_wait3A_177 = arith.constant 0 : i32
      %dma_wait3A_178 = tpu.memref_slice %arg5[%arg0, %dma_wait3A_176, %dma_wait3A_177] : memref<2x10112x128xf32, #tpu.memory_space<hbm>> -> memref<1x10112x128xf32, #tpu.memory_space<hbm>>
      %dma_wait3A_179 = tpu.memref_squeeze %dma_wait3A_178 : memref<1x10112x128xf32, #tpu.memory_space<hbm>> -> memref<10112x128xf32, #tpu.memory_space<hbm>>
      %dma_wait3A_180 = arith.constant 0 : i32
      %dma_wait3A_181 = tpu.memref_slice %dma_wait3A_179[%add3A_148, %dma_wait3A_180] : memref<10112x128xf32, #tpu.memory_space<hbm>> -> memref<120x128xf32, #tpu.memory_space<hbm>>
      %dma_wait3A_182 = arith.constant 0 : i32
      %dma_wait3A_183 = arith.constant 0 : i32
      %dma_wait3A_184 = tpu.memref_slice %arg8[%dma_wait3A_182, %dma_wait3A_183] : memref<128x128xf32, #tpu.memory_space<vmem>> -> memref<120x128xf32, #tpu.memory_space<vmem>>
      tpu.wait_dma2 semaphore(%run_scoped3A : memref<!tpu.dma_semaphore, #tpu.memory_space<semaphore_mem>>) src(%dma_wait3A_184 : memref<120x128xf32, #tpu.memory_space<vmem>>) dst(%dma_wait3A_181 : memref<120x128xf32, #tpu.memory_space<hbm>>)
      tpu.yield
    }) : () -> ()
    return
  }
}

module attributes {stable_mosaic.version = 14 : i64} {
  func.func @_mm_bias_body(%arg0: i32, %arg1: memref<1000x128xf32, #tpu.memory_space<vmem>>, %arg2: memref<128x128xf32, #tpu.memory_space<vmem>>, %arg3: memref<1x128xf32, #tpu.memory_space<vmem>>, %arg4: memref<1000x128xf32, #tpu.memory_space<vmem>>) attributes {dimension_semantics = [#tpu.dimension_semantics<arbitrary>], iteration_bounds = array<i64: 10>, scalar_prefetch = 0 : i64, scratch_operands = 0 : i64, tpu.core_type = #tpu.core_type<tc>, window_params = [{transform_indices = @transform_0, window_bounds = array<i64: 1000, 128>}, {pipeline_mode = #tpu.pipeline_mode<synchronous>, transform_indices = @transform_1, window_bounds = array<i64: 128, 128>}, {pipeline_mode = #tpu.pipeline_mode<synchronous>, transform_indices = @transform_2, window_bounds = array<i64: 1, 128>}, {transform_indices = @transform_3, window_bounds = array<i64: 1000, 128>}]} {
    %get3A = arith.constant 0 : index
    %get3A_0 = arith.constant 0 : index
    %get3A_1 = vector.load %arg1[%get3A, %get3A_0] : memref<1000x128xf32, #tpu.memory_space<vmem>>, vector<1000x128xf32>
    %get3A_2 = arith.constant 0 : index
    %get3A_3 = arith.constant 0 : index
    %get3A_4 = vector.load %arg2[%get3A_2, %get3A_3] : memref<128x128xf32, #tpu.memory_space<vmem>>, vector<128x128xf32>
    %dot_general3A = arith.constant dense<0.000000e+00> : vector<1000x128xf32>
    %dot_general3A_5 = tpu.matmul %get3A_1, %get3A_4, %dot_general3A {dimension_numbers = #tpu.dot_dimension_numbers<[1], [0], [0], [1], [0, 0, 1, 1], [], []>, transpose_lhs_hint = false} : vector<1000x128xf32>, vector<128x128xf32>, vector<1000x128xf32> -> vector<1000x128xf32>
    %get3A_6 = arith.constant 0 : index
    %get3A_7 = arith.constant 0 : index
    %get3A_8 = vector.load %arg3[%get3A_6, %get3A_7] : memref<1x128xf32, #tpu.memory_space<vmem>>, vector<1x128xf32>
    %add3A = vector.broadcast %get3A_8 : vector<1x128xf32> to vector<1000x128xf32>
    %add3A_9 = arith.addf %dot_general3A_5, %add3A : vector<1000x128xf32>
    %swap3A = arith.constant 0 : index
    %swap3A_10 = arith.constant 0 : index
    %swap3A_11 = vector.load %arg4[%swap3A, %swap3A_10] : memref<1000x128xf32, #tpu.memory_space<vmem>>, vector<1000x128xf32>
    tpu.vector_store %arg4[%swap3A, %swap3A_10], %add3A_9 {strides = array<i32>} : memref<1000x128xf32, #tpu.memory_space<vmem>>, vector<1000x128xf32>,
    return
  }
  func.func @transform_0(%arg0: i32) -> (i32, i32) {
    %c0_i32 = arith.constant 0 : i32
    %c0_i32_0 = arith.constant 0 : i32
    return %arg0, %c0_i32 : i32, i32
  }
  func.func @transform_1(%arg0: i32) -> (i32, i32) {
    %c0_i32 = arith.constant 0 : i32
    %c0_i32_0 = arith.constant 0 : i32
    %c0_i32_1 = arith.constant 0 : i32
    return %c0_i32, %c0_i32_0 : i32, i32
  }
  func.func @transform_2(%arg0: i32) -> (i32, i32) {
    %c0_i32 = arith.constant 0 : i32
    %c0_i32_0 = arith.constant 0 : i32
    %c0_i32_1 = arith.constant 0 : i32
    return %c0_i32, %c0_i32_0 : i32, i32
  }
  func.func @transform_3(%arg0: i32) -> (i32, i32) {
    %c0_i32 = arith.constant 0 : i32
    %c0_i32_0 = arith.constant 0 : i32
    return %arg0, %c0_i32 : i32, i32
  }
}

module attributes {stable_mosaic.version = 14 : i64} {
  func.func @_combine_relu_mm_body(%arg0: i32, %arg1: memref<2x1000x128xf32, #tpu.memory_space<vmem>>, %arg2: memref<128x128xf32, #tpu.memory_space<vmem>>, %arg3: memref<1x128xf32, #tpu.memory_space<vmem>>, %arg4: memref<1000x128xf32, #tpu.memory_space<vmem>>) attributes {dimension_semantics = [#tpu.dimension_semantics<arbitrary>], iteration_bounds = array<i64: 10>, scalar_prefetch = 0 : i64, scratch_operands = 0 : i64, tpu.core_type = #tpu.core_type<tc>, window_params = [{transform_indices = @transform_0, window_bounds = array<i64: 2, 1000, 128>}, {pipeline_mode = #tpu.pipeline_mode<synchronous>, transform_indices = @transform_1, window_bounds = array<i64: 128, 128>}, {pipeline_mode = #tpu.pipeline_mode<synchronous>, transform_indices = @transform_2, window_bounds = array<i64: 1, 128>}, {transform_indices = @transform_3, window_bounds = array<i64: 1000, 128>}]} {
    %get3A = arith.constant 0 : index
    %get3A_0 = arith.constant 0 : index
    %get3A_1 = arith.constant 0 : index
    %get3A_2 = vector.load %arg1[%get3A, %get3A_0, %get3A_1] : memref<2x1000x128xf32, #tpu.memory_space<vmem>>, vector<1x1000x128xf32>
    %get3A_3 = vector.shape_cast %get3A_2 : vector<1x1000x128xf32> to vector<1000x128xf32>
    %get3A_4 = arith.constant 1 : index
    %get3A_5 = arith.constant 0 : index
    %get3A_6 = arith.constant 0 : index
    %get3A_7 = vector.load %arg1[%get3A_4, %get3A_5, %get3A_6] : memref<2x1000x128xf32, #tpu.memory_space<vmem>>, vector<1x1000x128xf32>
    %get3A_8 = vector.shape_cast %get3A_7 : vector<1x1000x128xf32> to vector<1000x128xf32>
    %add3A = arith.addf %get3A_3, %get3A_8 : vector<1000x128xf32>
    %max3A = arith.constant 0.000000e+00 : f32
    %max3A_9 = vector.broadcast %max3A : f32 to vector<1000x128xf32>
    %max3A_10 = arith.maximumf %add3A, %max3A_9 : vector<1000x128xf32>
    %get3A_11 = arith.constant 0 : index
    %get3A_12 = arith.constant 0 : index
    %get3A_13 = vector.load %arg2[%get3A_11, %get3A_12] : memref<128x128xf32, #tpu.memory_space<vmem>>, vector<128x128xf32>
    %dot_general3A = arith.constant dense<0.000000e+00> : vector<1000x128xf32>
    %dot_general3A_14 = tpu.matmul %max3A_10, %get3A_13, %dot_general3A {dimension_numbers = #tpu.dot_dimension_numbers<[1], [0], [0], [1], [0, 0, 1, 1], [], []>, transpose_lhs_hint = false} : vector<1000x128xf32>, vector<128x128xf32>, vector<1000x128xf32> -> vector<1000x128xf32>
    %get3A_15 = arith.constant 0 : index
    %get3A_16 = arith.constant 0 : index
    %get3A_17 = vector.load %arg3[%get3A_15, %get3A_16] : memref<1x128xf32, #tpu.memory_space<vmem>>, vector<1x128xf32>
    %add3A_18 = vector.broadcast %get3A_17 : vector<1x128xf32> to vector<1000x128xf32>
    %add3A_19 = arith.addf %dot_general3A_14, %add3A_18 : vector<1000x128xf32>
    %swap3A = arith.constant 0 : index
    %swap3A_20 = arith.constant 0 : index
    %swap3A_21 = vector.load %arg4[%swap3A, %swap3A_20] : memref<1000x128xf32, #tpu.memory_space<vmem>>, vector<1000x128xf32>
    tpu.vector_store %arg4[%swap3A, %swap3A_20], %add3A_19 {strides = array<i32>} : memref<1000x128xf32, #tpu.memory_space<vmem>>, vector<1000x128xf32>,
    return
  }
  func.func @transform_0(%arg0: i32) -> (i32, i32, i32) {
    %c0_i32 = arith.constant 0 : i32
    %c0_i32_0 = arith.constant 0 : i32
    %c0_i32_1 = arith.constant 0 : i32
    return %c0_i32, %arg0, %c0_i32_0 : i32, i32, i32
  }
  func.func @transform_1(%arg0: i32) -> (i32, i32) {
    %c0_i32 = arith.constant 0 : i32
    %c0_i32_0 = arith.constant 0 : i32
    %c0_i32_1 = arith.constant 0 : i32
    return %c0_i32, %c0_i32_0 : i32, i32
  }
  func.func @transform_2(%arg0: i32) -> (i32, i32) {
    %c0_i32 = arith.constant 0 : i32
    %c0_i32_0 = arith.constant 0 : i32
    %c0_i32_1 = arith.constant 0 : i32
    return %c0_i32, %c0_i32_0 : i32, i32
  }
  func.func @transform_3(%arg0: i32) -> (i32, i32) {
    %c0_i32 = arith.constant 0 : i32
    %c0_i32_0 = arith.constant 0 : i32
    return %arg0, %c0_i32 : i32, i32
  }
}

module attributes {stable_mosaic.version = 14 : i64} {
  func.func @_combine_body(%arg0: i32, %arg1: memref<2x1000x128xf32, #tpu.memory_space<vmem>>, %arg2: memref<1000x128xf32, #tpu.memory_space<vmem>>) attributes {dimension_semantics = [#tpu.dimension_semantics<arbitrary>], iteration_bounds = array<i64: 10>, scalar_prefetch = 0 : i64, scratch_operands = 0 : i64, tpu.core_type = #tpu.core_type<tc>, window_params = [{transform_indices = @transform_0, window_bounds = array<i64: 2, 1000, 128>}, {transform_indices = @transform_1, window_bounds = array<i64: 1000, 128>}]} {
    %get3A = arith.constant 0 : index
    %get3A_0 = arith.constant 0 : index
    %get3A_1 = arith.constant 0 : index
    %get3A_2 = vector.load %arg1[%get3A, %get3A_0, %get3A_1] : memref<2x1000x128xf32, #tpu.memory_space<vmem>>, vector<1x1000x128xf32>
    %get3A_3 = vector.shape_cast %get3A_2 : vector<1x1000x128xf32> to vector<1000x128xf32>
    %get3A_4 = arith.constant 1 : index
    %get3A_5 = arith.constant 0 : index
    %get3A_6 = arith.constant 0 : index
    %get3A_7 = vector.load %arg1[%get3A_4, %get3A_5, %get3A_6] : memref<2x1000x128xf32, #tpu.memory_space<vmem>>, vector<1x1000x128xf32>
    %get3A_8 = vector.shape_cast %get3A_7 : vector<1x1000x128xf32> to vector<1000x128xf32>
    %add3A = arith.addf %get3A_3, %get3A_8 : vector<1000x128xf32>
    %swap3A = arith.constant 0 : index
    %swap3A_9 = arith.constant 0 : index
    %swap3A_10 = vector.load %arg2[%swap3A, %swap3A_9] : memref<1000x128xf32, #tpu.memory_space<vmem>>, vector<1000x128xf32>
    tpu.vector_store %arg2[%swap3A, %swap3A_9], %add3A {strides = array<i32>} : memref<1000x128xf32, #tpu.memory_space<vmem>>, vector<1000x128xf32>,
    return
  }
  func.func @transform_0(%arg0: i32) -> (i32, i32, i32) {
    %c0_i32 = arith.constant 0 : i32
    %c0_i32_0 = arith.constant 0 : i32
    %c0_i32_1 = arith.constant 0 : i32
    return %c0_i32, %arg0, %c0_i32_0 : i32, i32, i32
  }
  func.func @transform_1(%arg0: i32) -> (i32, i32) {
    %c0_i32 = arith.constant 0 : i32
    %c0_i32_0 = arith.constant 0 : i32
    return %arg0, %c0_i32 : i32, i32
  }
}

</mosaic_0001>

<sc_bundles>
// kernel: kernel.10.cloned.1.call-start
scs
__scs_entry_jumppad:
0x0: {  	(pc) =	sbr.rel $0x88, $3  }
0x1: {  	(tag) =	ssettag $0x0;
	lr =	simm.s32 $0x1  }
0x2: {  	[smem:$0x3F9B] =	sst lr;
	_ =	strace $0xD0000000  }
0x3: {  	_ = 	snop  }
0x4: {  	_ = 	snop  }
0x5: {  	_ = 	snop  }
0x6: {  	_ = 	snop  }
0x7: {  	_ = 	snop  }
__scs_overlays_trampoline_lowered:
0x8: {  	[smem:$0x3FAA] =	sst s0  }
0x9: {  	[smem:$0x3FAB] =	sst s1  }
0xa: {  	[smem:$0x3FAC] =	sst s2  }
0xb: {  	[smem:$0x3FAD] =	sst s3  }
0xc: {  	[smem:$0x3FAE] =	sst s4  }
0xd: {  	[smem:$0x3FAF] =	sst s5  }
0xe: {  	[smem:$0x3FB0] =	sst s6  }
0xf: {  	[smem:$0x3FB1] =	sst s7  }
0x10: {  	[smem:$0x3FB2] =	sst s8  }
0x11: {  	[smem:$0x3FB3] =	sst s9;
	s0 =	simm.s32 @!p0 $0x0  }
0x12: {  	s1 =	sld [smem:$0x3F99];
	s0 =	simm.s32 @p0 $0x1  }
0x13: {  	[smem:$0x3FB4] =	sst s0;
	s0 =	simm.s32 @!p1 $0x0  }
0x14: {  	s2 =	sld [smem:$0x3F98];
	s0 =	simm.s32 @p1 $0x1  }
0x15: {  	[smem:$0x3FB5] =	sst s0;
	s0 =	simm.s32 @!p2 $0x0  }
0x16: {  	s3 =	sld [smem:$0x3FDB];
	s0 =	simm.s32 @p2 $0x1  }
0x17: {  	s4 =	simm.s32 $0x1BF5;
	[smem:$0x3FB7] =	sst s0  }
0x18: {  	s0 =	sld [smem:$0x3F9A];
	_ =	swait.ge [sflag:s4], $0x0  }
0x19: {  	s7 =	sld [smem:$0x3F9B]  }
0x1a: {  	s8 =	sadd.s32 $0xFFFFE003, lr  }
0x1b: {  	s9 =	sadd.s32 $0xFFFFFEF7, lr;
	s5 =	simm.s32 $0xFFFFFFFF;
	p2 =	slt.u32 s8, $0xFFFFF086  }
0x1c: {  	p1 =	slt.u32 s9, $0xF7A;
	s5 =	simm.s32 @!p2 $0x0  }
0x1d: {  	s5 =	simm.s32 @p1 $0x1;
	p0 =	seq.s32 s7, s2  }
0x1e: {  	s7 =	smul.u32 @!p0 $0xF7A, s2;
	p2 =	seq.s32 @!p0 s5, $0x0  }
0x1f: {  	s9 =	smul.u32 $0xF7A, s1;
	s8 =	simm.s32 @!p0 $0x1BF5;
	p2 =	por !p2, p0  }
0x20: {  	[sflag:s8] =	ssyncset.s32 @!p0 $0xFFFFF086;
	s6 =	sadd.s32 @!p0 s3, s7;
	s7 =	simm.s32 @!p0 $0x108  }
0x21: {  	s3 =	sadd.s32 s3, s9;
	s6 =	sadd.s32 @!p0 $0x88, s6;
	s7 =	simm.s32 @p2 $0x1082  }
0x22: {  	[simem:s7], [sflag:s8] =	dma.local @!p0 [hbm:s6], $0xF7A  }
0x23: {  	s9 =	sor.u32 $0xD0000000, s2;
	s6 =	simm.s32 $0x108;
	_ =	swait.ge @!p0 [sflag:s8], $0x0  }
0x24: {  	s3 =	sadd.s32 $0x88, s3;
	s6 =	simm.s32 @!p1 $0x1082;
	[sflag:s4] =	ssyncset.s32 $0xFFFFF086  }
0x25: {  	[simem:s6], [sflag:s4] =	dma.local [hbm:s3], $0xF7A  }
0x26: {  	[smem:$0x3F9B] =	sst s1;
	(tag) =	ssettag s2;
	_ =	strace s9  }
0x27: {  	s1 =	sld [smem:$0x3FAB]  }
0x28: {  	s2 =	sld [smem:$0x3FAC]  }
0x29: {  	s4 =	sld [smem:$0x3FAE]  }
0x2a: {  	p0 =	seq.s32 s5, $0x0;
	s5 =	sld [smem:$0x3FAF]  }
0x2b: {  	s6 =	sld [smem:$0x3FB0]  }
0x2c: {  	s7 =	sld [smem:$0x3FB1]  }
0x2d: {  	s3 =	simm.s32 $0x108;
	s8 =	sld [smem:$0x3FB2]  }
0x2e: {  	s3 =	simm.s32 @!p0 $0x1082;
	s9 =	sld [smem:$0x3FB3]  }
0x2f: {  	lr =	sadd.s32 s0, s3;
	s0 =	sld [smem:$0x3FAA]  }
0x30: {  	s3 =	sld [smem:$0x3FAD]  }
0x31: {  	[smem:$0x3FB6] =	sst s10  }
0x32: {  	s10 =	sld [smem:$0x3FB4];
	_ =	sdelay $0x3  }
0x33: {  	p0 =	seq.s32 s10, $0x1;
	s10 =	sld [smem:$0x3FB6];
	_ =	sdelay $0x3  }
0x34: {  	[smem:$0x3FB6] =	sst s10  }
0x35: {  	s10 =	sld [smem:$0x3FB5];
	_ =	sdelay $0x3  }
0x36: {  	p1 =	seq.s32 s10, $0x1;
	s10 =	sld [smem:$0x3FB6];
	_ =	sdelay $0x3  }
0x37: {  	[smem:$0x3FB6] =	sst s10  }
0x38: {  	s10 =	sld [smem:$0x3FB7]  }
0x39: {  	_ = 	snop;
	(pc) =	sbr.ind lr, $3  }
0x3a: {  	_ = 	snop  }
0x3b: {  	_ = 	snop  }
0x3c: {  	p2 =	seq.s32 s10, $0x1;
	s10 =	sld [smem:$0x3FB6]  }
0x3d: {  	_ =	shalt  }
0x3e: {  	_ =	shalt  }
0x3f: {  	_ =	shalt  }
0x40: {  	_ =	shalt  }
0x41: {  	_ =	shalt  }
0x42: {  	_ =	shalt  }
0x43: {  	_ =	shalt  }
0x44: {  	_ =	shalt  }
0x45: {  	_ =	shalt  }
0x46: {  	_ =	shalt  }
0x47: {  	_ =	shalt  }
0x48: {  	_ =	shalt  }
0x49: {  	_ =	shalt  }
0x4a: {  	_ =	shalt  }
0x4b: {  	_ =	shalt  }
0x4c: {  	_ =	shalt  }
0x4d: {  	_ =	shalt  }
0x4e: {  	_ =	shalt  }
0x4f: {  	_ =	shalt  }
0x50: {  	_ =	shalt  }
0x51: {  	_ =	shalt  }
0x52: {  	_ =	shalt  }
0x53: {  	_ =	shalt  }
0x54: {  	_ =	shalt  }
0x55: {  	_ =	shalt  }
0x56: {  	_ =	shalt  }
0x57: {  	_ =	shalt  }
0x58: {  	_ =	shalt  }
0x59: {  	_ =	shalt  }
0x5a: {  	_ =	shalt  }
0x5b: {  	_ =	shalt  }
0x5c: {  	_ =	shalt  }
0x5d: {  	_ =	shalt  }
0x5e: {  	_ =	shalt  }
0x5f: {  	_ =	shalt  }
0x60: {  	_ =	shalt  }
0x61: {  	_ =	shalt  }
0x62: {  	_ =	shalt  }
0x63: {  	_ =	shalt  }
0x64: {  	_ =	shalt  }
0x65: {  	_ =	shalt  }
0x66: {  	_ =	shalt  }
0x67: {  	_ =	shalt  }
0x68: {  	_ =	shalt  }
0x69: {  	_ =	shalt  }
0x6a: {  	_ =	shalt  }
0x6b: {  	_ =	shalt  }
0x6c: {  	_ =	shalt  }
0x6d: {  	_ =	shalt  }
0x6e: {  	_ =	shalt  }
0x6f: {  	_ =	shalt  }
0x70: {  	_ =	shalt  }
0x71: {  	_ =	shalt  }
0x72: {  	_ =	shalt  }
0x73: {  	_ =	shalt  }
0x74: {  	_ =	shalt  }
0x75: {  	_ =	shalt  }
0x76: {  	_ =	shalt  }
0x77: {  	_ =	shalt  }
0x78: {  	_ =	shalt  }
0x79: {  	_ =	shalt  }
0x7a: {  	_ =	shalt  }
0x7b: {  	_ =	shalt  }
0x7c: {  	_ =	shalt  }
0x7d: {  	_ =	shalt  }
0x7e: {  	_ =	shalt  }
0x7f: {  	_ =	shalt  }
0x80: {  	_ =	shalt  }
0x81: {  	_ =	shalt  }
0x82: {  	_ =	shalt  }
0x83: {  	_ =	shalt  }
0x84: {  	_ =	shalt  }
0x85: {  	_ =	shalt  }
0x86: {  	_ =	shalt  }
0x87: {  	_ =	shalt  }
.Lfunc_end0:
.L_simem_size_0:
called_computation.1_lowered:
.L_overlay_start_0:
0x88: {  	s2 =	sld [smem:$0x3FD9]  }
0x89: {  	s3 =	sld [smem:$0x3FFE];
	_ =	sdelay $0x1  }
0x8a: {  	s1 =	srdreg.scid  }
0x8b: {  	s0 =	sand.u32 $0x1, s1  }
0x8c: {  	s17 =	sshll.u32 s0, $0xA;
	s2 =	sadd.s32 s3, s2  }
0x8d: {  	s2 =	sadd.s32 s2, s17  }
0x8e: {  	[smem:$0x3FC2] =	sst s2  }
0x8f: {  	_ = 	snop  }
0x90: {  	s2 =	sld [smem:$0x3FD0];
	(tm) =	ssettm $0x1  }
0x91: {  	s18 =	sld [smem:$0x3FFB];
	_ =	sdelay $0x3  }
0x92: {  	_ =	strace s18  }
0x93: {  	s3 =	sld [smem:$0x3FFC];
	_ =	sdelay $0x3  }
0x94: {  	_ =	strace s3  }
0x95: {  	s3 =	sld [smem:$0x3FFD];
	_ =	sdelay $0x3  }
0x96: {  	_ =	strace s3  }
0x97: {  	_ =	strace $0x8FFFFFFF  }
0x98: {  	s19 =	sld [smem:$0x3FDB];
	_ =	sdelay $0x1  }
0x99: {  	s4 =	simm.s32 $_scs_section_size  }
0x9a: {  	s5 =	simm.s32 $_size__tile_overlayer_lowered;
	s6 =	simm.s32 $_tile_overlayer_lowered  }
0x9b: {  	s22 =	simm.s32 $0x1BFF;
	s21 =	sshll.u32 s6, $0x1;
	s3 =	sadd.s32 s4, s19  }
0x9c: {  	s7 =	simm.s32 $0x0;
	s20 =	sshll.u32 s5, $0x1;
	s5 =	sadd.s32 s21, s3  }
0x9d: {  	[timem:s7], [sflag:s22] =	dma.local [hbm:s5], s20  }
0x9e: {  	_ =	swait.ge [sflag:s22], s20  }
0x9f: {  	s4 =	ssub.s32 $0x0, s20;
	[sflag:s22] =	ssyncset.done $0x0  }
0xa0: {  	[sflag:s22] =	ssyncadd.s32 s4;
	_ =	sdelay $0x1  }
0xa1: {  	s23 =	simm.s32 $0x1B8B  }
0xa2: {  	_ =	swait.ge [sflag:s23], $0x1  }
0xa3: {  	[sflag:s23] =	ssyncset.done $0x0  }
0xa4: {  	s25 =	simm.s32 $0x1B8E;
	s24 =	sld [smem:$0x3FFE];
	[sflag:s23] =	ssyncadd.s32 $0xFFFFFFFF  }
0xa5: {  	s26 =	simm.s32 $execute0_lowered;
	[smem:$0x3FD2] =	sst s25  }
0xa6: {  	s5 =	sshll.u32 s26, $0x1;
	_ =	strace $0x80000049;
	[dreg:$0x1] =	wrdreg $0xFFFFFFFF  }
0xa7: {  	s28 =	simm.s32 $_size_execute0_lowered;
	s3 =	sadd.s32 s3, s5;
	[dreg:$0x0] =	wrdreg $0x0  }
0xa8: {  	s5 =	sshll.u32 s28, $0x1;
	[dreg:$0x2] =	wrdreg s3  }
0xa9: {  	[dreg:$0x3] =	wrdreg s5  }
0xaa: {  	[dreg:$0x4] =	wrdreg $0xC0  }
0xab: {  	_ =	task [dreg:s7], $0x5FFFF  }
0xac: {  	[dreg:$0x1] =	wrdreg $0xFFFFFFFF  }
0xad: {  	[dreg:$0x0] =	wrdreg $0x60  }
0xae: {  	[dreg:$0x2] =	wrdreg s2  }
0xaf: {  	[dreg:$0x3] =	wrdreg s24  }
0xb0: {  	[dreg:$0x4] =	wrdreg $0x90000  }
0xb1: {  	[dreg:$0x5] =	wrdreg $0x9  }
0xb2: {  	_ =	task.clear_ibuf [dreg:s7], $0x6FFFF;
	_ =	strace $0x90000049  }
0xb3: {  	s29 =	simm.s32 $0x9;
	_ =	strace $0x8000004B  }
0xb4: {  	_ =	swait.ge [sflag:s29], $0x1  }
0xb5: {  	[sflag:s29] =	ssyncadd.s32 $0xFFFFFFFF  }
0xb6: {  	_ =	strace $0x9000004B  }
0xb7: {  	_ =	sfence  }
0xb8: {  	s30 =	sld [smem:$0x0];
	_ =	sdelay $0x2  }
0xb9: {  	s31 =	sshll.u32 s1, $0xD;
	s1 =	sshrl.u32 s1, $0x2  }
0xba: {  	s3 =	sand.u32 $0x4000, s31;
	s1 =	sadd.s32 s1, s30  }
0xbb: {  	s0 =	sor.u32 s3, s0;
	s1 =	sshll.u32 s1, $0x11  }
0xbc: {  	s0 =	sor.u32 s1, s0  }
0xbd: {  	s0 =	sadd.s32 $0x8F2B, s0  }
0xbe: {  	[sflag:s0] =	ssyncadd.remote.s32 $0x1  }
0xbf: {  	_ =	sfence.sel $0xFFFF  }
0xc0: {  	[dreg:$0x0] =	wrdreg $0xFFFFFFFF;
	(pc) =	sbr.abs _section_cstart, $3  }
0xc1: {  	[dreg:$0x1] =	wrdreg $0xFFFFFFFF  }
0xc2: {  	_ =	task.clear_ibuf [dreg:s7], $0x2FFFF;
	_ =	strace $0x9FFFFFFF  }
0xc3: {  	(tm) =	ssettm $0x7FFFFFFF  }
tec
execute0_lowered:
.L_overlay_start_1:
0x0: {  	(tag) =	ssettag $0x1  }
0x1: {  	s1 =	rddreg [dreg:$0x0]  }
0x2: {  	s0 =	srdreg.scid;
	s6 =	rddreg [dreg:$0x1]  }
0x3: {  	s3 =	rddreg [dreg:$0x2];
	s5 =	sand.u32 $0x1, s0  }
0x4: {  	s4 =	simm.s32 $0x0;
	s0 =	stileid.u32;
	s8 =	smul.u32 $0x27800, s5  }
0x5: {  	[smem:$0x7FF] =	sst s4;
	s9 =	smul.u32 $0x278, s0  }
0x6: {  	s2 =	sshll.u32 s5, $0x4;
	s10 =	smul.u32 $0x4F000, s0;
	s5 =	ssub.s32 $0x2, s5  }
0x7: {  	s18 =	smul.u32 $0x2780, s0;
	s2 =	sor.u32 s0, s2;
	s26 =	sshrl.u32 s5, $0x1  }
0x8: {  	s7 =	smul.u32 $0x500, s2;
	s2 =	rddreg [dreg:$0x3];
	_ =	strace $0x8000004A  }
0x9: {  	s12 =	sadd.s32 s8, s6;
	s28 =	sshrl.u32 s10, $0x2;
	s13 =	sadd.s32 $0x80, s9  }
0xa: {  	s14 =	ssub.s32 s5, s26;
	s15 =	sadd.s32 $0x100, s9;
	s16 =	sadd.s32 $0x180, s9  }
0xb: {  	s17 =	sadd.s32 $0x200, s9;
	s5 =	sadd.s32 s28, s3;
	s29 =	sshll.u32 s13, $0x7  }
0xc: {  	s30 =	sshll.u32 s15, $0x7;
	s31 =	sshll.u32 s16, $0x7;
	s9 =	sshll.u32 s17, $0x7  }
0xd: {  	s22 =	sadd.s32 $0x15800, s12;
	s19 =	sshll.u32 s13, $0x4;
	s20 =	sshll.u32 s15, $0x4  }
0xe: {  	s21 =	sshll.u32 s16, $0x4;
	s23 =	sshll.u32 s17, $0x4;
	s12 =	smax.u32 s14, $0x1  }
0xf: {  	s13 =	simm.s32 $0x5000;
	s14 =	simm.s32 $0x2;
	s15 =	simm.s32 $0x2800  }
0x10: {  	s16 =	simm.s32 $0x1;
	s17 =	simm.s32 $0x80;
	s11 =	sadd.s32 s7, s6  }
0x11: {  	s6 =	sadd.s32 s29, s3;
	s7 =	sadd.s32 s30, s3;
	s8 =	sadd.s32 s31, s3  }
0x12: {  	s9 =	sadd.s32 s9, s3;
	s18 =	sadd.s32 s18, s22;
	s19 =	sadd.s32 s19, s22  }
0x13: {  	s20 =	sadd.s32 s20, s22;
	s21 =	sadd.s32 s21, s22;
	s22 =	sadd.s32 s23, s22  }
0x14: {  	v0 =	vimm.f32 $0.0e+00;
	s23 =	simm.s32 $0x0;
	s10 =	sadd.s32 $0xB800, s11;
	s11 =	sadd.s32 $0x1800, s11  }
.LBB2_1:
0x15: {  	s24 =	sand.u32 $0xFE00, s4  }
0x16: {  	s25 =	sand.u32 $0x70, s4;
	s26 =	sshrl.u32 s24, $0x2  }
0x17: {  	s24 =	simm.s32 $0x40;
	s26 =	sor.u32 s25, s26;
	s25 =	simm.s32 $0x0  }
.LBB2_2:
0x18: {  	p0 =	sne.s32 s24, $0xFFC0  }
0x19: {  	[tilespmem:s26+$0x5000] =	vst v0;
	s25 =	sadd.s32 $0x10, s25;
	s26 =	smov.u32 s24;
	s24 =	sadd.s32 $0x40, s24  }
.Ltmp0:
0x1a: {  	(pc) =	sbr.rel @p0 .LBB2_2-.Ltmp0, $4  }
0x1b: {  	_ = 	snop  }
0x1c: {  	s26 =	sand.u32 $0xFE00, s26  }
0x1d: {  	s28 =	sand.u32 $0x70, s25;
	s26 =	sshrl.u32 s26, $0x2  }
0x1e: {  	s26 =	sor.u32 s28, s26  }
0x1f: {  	[tilespmem:s26+$0x5000] =	vst v0  }
0x20: {  	[spmem:s5] =	stream.linear.scatter [tilespmem:s13], [sflag:$0x1], $0x4000, $0x38;
	[tilespmem:$0x1CC00] =	vst v63  }
0x21: {  	_ = 	snop  }
0x22: {  	[spmem:s6] =	stream.linear.scatter [tilespmem:s13], [sflag:$0x1], $0x4000, $0x38;
	[tilespmem:$0x1CC00] =	vst v63  }
0x23: {  	_ = 	snop  }
0x24: {  	[spmem:s7] =	stream.linear.scatter [tilespmem:s13], [sflag:$0x1], $0x4000, $0x38;
	[tilespmem:$0x1CC00] =	vst v63  }
0x25: {  	_ = 	snop  }
0x26: {  	[spmem:s8] =	stream.linear.scatter [tilespmem:s13], [sflag:$0x1], $0x4000, $0x38;
	[tilespmem:$0x1CC00] =	vst v63  }
0x27: {  	_ = 	snop  }
0x28: {  	[spmem:s9] =	stream.linear.scatter [tilespmem:s13], [sflag:$0x1], $0x3C00, $0x38;
	[tilespmem:$0x1CC00] =	vst v63  }
0x29: {  	s24 =	simm.s32 $0x0  }
0x2a: {  	[tilespmem:s24], [sflag:$0x2] =	stream.linear.gather [hbm4b:s10+s24], $0x2780, $0x38;
	[tilespmem:$0x1CC00] =	vst v63  }
0x2b: {  	_ =	swait.ge [sflag:s14], $0x2780  }
0x2c: {  	[sflag:s14] =	ssyncset.done $0x0  }
0x2d: {  	[sflag:s14] =	ssyncadd.s32 $0xFFFFD880  }
0x2e: {  	[tilespmem:s15], [sflag:$0x2] =	stream.linear.gather [hbm4b:s11+s24], $0x2780, $0x38;
	[tilespmem:$0x1CC00] =	vst v63  }
0x2f: {  	_ =	swait.ge [sflag:s14], $0x2780  }
0x30: {  	[sflag:s14] =	ssyncset.done $0x0  }
0x31: {  	[sflag:s14] =	ssyncadd.s32 $0xFFFFD880  }
0x32: {  	_ =	swait.ge [sflag:s16], $0x4000  }
0x33: {  	[sflag:s16] =	ssyncset.done $0x0  }
0x34: {  	[sflag:s16] =	ssyncadd.s32 $0xFFFFC000  }
0x35: {  	_ =	swait.ge [sflag:s16], $0x4000  }
0x36: {  	[sflag:s16] =	ssyncset.done $0x0  }
0x37: {  	[sflag:s16] =	ssyncadd.s32 $0xFFFFC000  }
0x38: {  	_ =	swait.ge [sflag:s16], $0x4000  }
0x39: {  	[sflag:s16] =	ssyncset.done $0x0  }
0x3a: {  	[sflag:s16] =	ssyncadd.s32 $0xFFFFC000  }
0x3b: {  	_ =	swait.ge [sflag:s16], $0x4000  }
0x3c: {  	[sflag:s16] =	ssyncset.done $0x0  }
0x3d: {  	[sflag:s16] =	ssyncadd.s32 $0xFFFFC000  }
0x3e: {  	_ =	swait.ge [sflag:s16], $0x3C00  }
0x3f: {  	[sflag:s16] =	ssyncset.done $0x0  }
0x40: {  	[sflag:s16] =	ssyncadd.s32 $0xFFFFC400  }
0x41: {  	s30 =	simm.s32 $0x0;
	[bflag:$0x0] =	sbarrier.arrive $0xFFFF  }
0x42: {  	[tilespmem:s13], [sflag:$0x1] =	stream.indirect.gather [hbm4b:s1+s17], $0x80, s30, s17, $0xb8;
	[tilespmem:$0x1CC00] =	vst v63  }
0x43: {  	_ =	swait.ge [sflag:s16], $0x4000  }
0x44: {  	[sflag:s16] =	ssyncset.done $0x0  }
0x45: {  	s31 =	simm.s32 $0x2800;
	[sflag:s16] =	ssyncadd.s32 $0xFFFFC000  }
0x46: {  	[spmem:s3] =	stream.indirect.scatter.add.f32 [tilespmem:s13], [sflag:$0x2], $0x80, s31, s17, $0xb8;
	[tilespmem:$0x1CC00] =	vst v63  }
0x47: {  	_ =	swait.ge [sflag:s14], $0x4000  }
0x48: {  	s25 =	simm.s32 $0x400;
	s24 =	simm.s32 $0x200;
	[sflag:s14] =	ssyncset.done $0x0  }
.LBB2_4:
0x49: {  	s26 =	sshra.s32 s24, $0x2  }
0x4a: {  	[sflag:s14] =	ssyncadd.s32 $0xFFFFC000;
	s24 =	smov.u32 s25;
	s28 =	sadd.s32 $0x200, s25  }
0x4b: {  	[tilespmem:s13], [sflag:$0x1] =	stream.indirect.gather [hbm4b:s1+s17], $0x80, s26, s17, $0xb8;
	[tilespmem:$0x1CC00] =	vst v63  }
0x4c: {  	p0 =	sne.s32 s25, $0x9C00;
	_ =	swait.ge [sflag:s16], $0x4000  }
.Ltmp1:
0x4d: {  	[sflag:s16] =	ssyncset.done $0x0;
	(pc) =	sbr.rel @p0 .LBB2_4-.Ltmp1, $4  }
0x4e: {  	s25 =	sadd.s32 $0x2800, s26;
	[sflag:s16] =	ssyncadd.s32 $0xFFFFC000  }
0x4f: {  	[spmem:s3] =	stream.indirect.scatter.add.f32 [tilespmem:s13], [sflag:$0x2], $0x80, s25, s17, $0xb8;
	[tilespmem:$0x1CC00] =	vst v63  }
0x50: {  	_ =	swait.ge [sflag:s14], $0x4000  }
0x51: {  	s25 =	smov.u32 s28;
	[sflag:s14] =	ssyncset.done $0x0  }
0x52: {  	s24 =	sshra.s32 s24, $0x2;
	[sflag:s14] =	ssyncadd.s32 $0xFFFFC000  }
0x53: {  	[tilespmem:s13], [sflag:$0x1] =	stream.indirect.gather [hbm4b:s1+s17], $0x80, s24, s17, $0xb8;
	[tilespmem:$0x1CC00] =	vst v63  }
0x54: {  	_ =	swait.ge [sflag:s16], $0x4000  }
0x55: {  	[sflag:s16] =	ssyncset.done $0x0  }
0x56: {  	s24 =	sadd.s32 $0x2800, s24;
	[sflag:s16] =	ssyncadd.s32 $0xFFFFC000  }
0x57: {  	[spmem:s3] =	stream.indirect.scatter.add.f32 [tilespmem:s13], [sflag:$0x2], $0x80, s24, s17, $0xb8;
	[tilespmem:$0x1CC00] =	vst v63  }
0x58: {  	_ =	swait.ge [sflag:s14], $0x4000  }
0x59: {  	[sflag:s14] =	ssyncset.done $0x0  }
0x5a: {  	[sflag:s14] =	ssyncadd.s32 $0xFFFFC000  }
0x5b: {  	[bflag:$0x0] =	sbarrier.arrive $0xFFFF  }
0x5c: {  	[tilespmem:s13], [sflag:$0x2] =	stream.linear.gather [spmem:s5], $0x4000, $0x38;
	[tilespmem:$0x1CC00] =	vst v63  }
0x5d: {  	_ =	swait.ge [sflag:s14], $0x4000  }
0x5e: {  	[sflag:s14] =	ssyncset.done $0x0  }
0x5f: {  	[sflag:s14] =	ssyncadd.s32 $0xFFFFC000  }
0x60: {  	[hbm4b:s18+s4] =	stream.linear.scatter [tilespmem:s13], [sflag:$0x2], $0x4000, $0x38;
	[tilespmem:$0x1CC00] =	vst v63  }
0x61: {  	_ =	swait.ge [sflag:s14], $0x4000  }
0x62: {  	[sflag:s14] =	ssyncset.done $0x0  }
0x63: {  	[sflag:s14] =	ssyncadd.s32 $0xFFFFC000  }
0x64: {  	[tilespmem:s13], [sflag:$0x2] =	stream.linear.gather [spmem:s6], $0x4000, $0x38;
	[tilespmem:$0x1CC00] =	vst v63  }
0x65: {  	_ =	swait.ge [sflag:s14], $0x4000  }
0x66: {  	[sflag:s14] =	ssyncset.done $0x0  }
0x67: {  	[sflag:s14] =	ssyncadd.s32 $0xFFFFC000  }
0x68: {  	[hbm4b:s19+s4] =	stream.linear.scatter [tilespmem:s13], [sflag:$0x2], $0x4000, $0x38;
	[tilespmem:$0x1CC00] =	vst v63  }
0x69: {  	_ =	swait.ge [sflag:s14], $0x4000  }
0x6a: {  	[sflag:s14] =	ssyncset.done $0x0  }
0x6b: {  	[sflag:s14] =	ssyncadd.s32 $0xFFFFC000  }
0x6c: {  	[tilespmem:s13], [sflag:$0x2] =	stream.linear.gather [spmem:s7], $0x4000, $0x38;
	[tilespmem:$0x1CC00] =	vst v63  }
0x6d: {  	_ =	swait.ge [sflag:s14], $0x4000  }
0x6e: {  	[sflag:s14] =	ssyncset.done $0x0  }
0x6f: {  	[sflag:s14] =	ssyncadd.s32 $0xFFFFC000  }
0x70: {  	[hbm4b:s20+s4] =	stream.linear.scatter [tilespmem:s13], [sflag:$0x2], $0x4000, $0x38;
	[tilespmem:$0x1CC00] =	vst v63  }
0x71: {  	_ =	swait.ge [sflag:s14], $0x4000  }
0x72: {  	[sflag:s14] =	ssyncset.done $0x0  }
0x73: {  	[sflag:s14] =	ssyncadd.s32 $0xFFFFC000  }
0x74: {  	[tilespmem:s13], [sflag:$0x2] =	stream.linear.gather [spmem:s8], $0x4000, $0x38;
	[tilespmem:$0x1CC00] =	vst v63  }
0x75: {  	_ =	swait.ge [sflag:s14], $0x4000  }
0x76: {  	[sflag:s14] =	ssyncset.done $0x0  }
0x77: {  	[sflag:s14] =	ssyncadd.s32 $0xFFFFC000  }
0x78: {  	[hbm4b:s21+s4] =	stream.linear.scatter [tilespmem:s13], [sflag:$0x2], $0x4000, $0x38;
	[tilespmem:$0x1CC00] =	vst v63  }
0x79: {  	_ =	swait.ge [sflag:s14], $0x4000  }
0x7a: {  	[sflag:s14] =	ssyncset.done $0x0  }
0x7b: {  	[sflag:s14] =	ssyncadd.s32 $0xFFFFC000  }
0x7c: {  	[tilespmem:s13], [sflag:$0x2] =	stream.linear.gather [spmem:s9], $0x3C00, $0x38;
	[tilespmem:$0x1CC00] =	vst v63  }
0x7d: {  	s23 =	sadd.s32 $0x1, s23;
	_ =	swait.ge [sflag:s14], $0x3C00  }
0x7e: {  	p0 =	sne.s32 s23, s12;
	[sflag:s14] =	ssyncset.done $0x0  }
.Ltmp2:
0x7f: {  	[sflag:s14] =	ssyncadd.s32 $0xFFFFC400;
	(pc) =	sbr.rel @p0 .LBB2_1-.Ltmp2, $4  }
0x80: {  	[hbm4b:s22+s4] =	stream.linear.scatter [tilespmem:s13], [sflag:$0x2], $0x3C00, $0x38;
	[tilespmem:$0x1CC00] =	vst v63  }
0x81: {  	_ =	swait.ge [sflag:s14], $0x3C00  }
0x82: {  	[sflag:s14] =	ssyncset.done $0x0  }
0x83: {  	[sflag:s14] =	ssyncadd.s32 $0xFFFFC400  }
0x84: {  	_ =	sfence.sel $0x180000  }
0x85: {  	[bflag:$0x0] =	sbarrier.arrive $0xFFFF  }
0x86: {  	p0 =	sne.s32 s0, $0x0;
	_ =	strace $0x9000004A  }
0x87: {  	s0 =	sadd.s32 @!p0 $0x100000, s2;
	[bflag:$0x2] =	sbarrier.arrive $0xFFFF  }
0x88: {  	[sflag:s0] =	ssyncadd.tile.s32 @!p0 $0x1;
	_ =	shalt  }
.Lfunc_end2:
_tile_overlayer_lowered:
.L_overlay_start_2:
0x89: {  	(tag) =	ssettag $0x2  }
0x8a: {  	s0 =	rddreg [dreg:$0x0];
	s2 =	stileid.u32  }
0x8b: {  	s1 =	rddreg [dreg:$0x1];
	p0 =	sne.s32 s2, $0x0  }
0x8c: {  	s3 =	rddreg [dreg:$0x2];
	[bflag:$0x3] =	sbarrier.arrive $0xFFFF;
	s2 =	simm.s32 @!p0 $0x1C02  }
0x8d: {  	[timem:s3], [sflag:s2] =	dma.local @!p0 [hbm:s0], s1  }
0x8e: {  	s0 =	simm.s32 @!p0 $0x2  }
0x8f: {  	_ =	swait.ge @!p0 [sflag:s0], s1  }
0x90: {  	s1 =	ssub.s32 @!p0 $0x0, s1;
	[sflag:s0] =	ssyncset.done @!p0 $0x0  }
0x91: {  	[sflag:s0] =	ssyncadd.s32 @!p0 s1  }
0x92: {  	[bflag:$0x3] =	sbarrier.arrive $0xFFFF  }
0x93: {  	_ =	shalt  }

// kernel: kernel.7.cloned.1.call-start
scs
__scs_entry_jumppad:
0x0: {  	(pc) =	sbr.rel $0x88, $3  }
0x1: {  	(tag) =	ssettag $0x0;
	lr =	simm.s32 $0x1  }
0x2: {  	[smem:$0x3F9B] =	sst lr;
	_ =	strace $0xD0000000  }
0x3: {  	_ = 	snop  }
0x4: {  	_ = 	snop  }
0x5: {  	_ = 	snop  }
0x6: {  	_ = 	snop  }
0x7: {  	_ = 	snop  }
__scs_overlays_trampoline_lowered:
0x8: {  	[smem:$0x3FAA] =	sst s0  }
0x9: {  	[smem:$0x3FAB] =	sst s1  }
0xa: {  	[smem:$0x3FAC] =	sst s2  }
0xb: {  	[smem:$0x3FAD] =	sst s3  }
0xc: {  	[smem:$0x3FAE] =	sst s4  }
0xd: {  	[smem:$0x3FAF] =	sst s5  }
0xe: {  	[smem:$0x3FB0] =	sst s6  }
0xf: {  	[smem:$0x3FB1] =	sst s7  }
0x10: {  	[smem:$0x3FB2] =	sst s8  }
0x11: {  	[smem:$0x3FB3] =	sst s9;
	s0 =	simm.s32 @!p0 $0x0  }
0x12: {  	s1 =	sld [smem:$0x3F99];
	s0 =	simm.s32 @p0 $0x1  }
0x13: {  	[smem:$0x3FB4] =	sst s0;
	s0 =	simm.s32 @!p1 $0x0  }
0x14: {  	s2 =	sld [smem:$0x3F98];
	s0 =	simm.s32 @p1 $0x1  }
0x15: {  	[smem:$0x3FB5] =	sst s0;
	s0 =	simm.s32 @!p2 $0x0  }
0x16: {  	s3 =	sld [smem:$0x3FDB];
	s0 =	simm.s32 @p2 $0x1  }
0x17: {  	s4 =	simm.s32 $0x1BF5;
	[smem:$0x3FB7] =	sst s0  }
0x18: {  	s0 =	sld [smem:$0x3F9A];
	_ =	swait.ge [sflag:s4], $0x0  }
0x19: {  	s7 =	sld [smem:$0x3F9B]  }
0x1a: {  	s8 =	sadd.s32 $0xFFFFE003, lr  }
0x1b: {  	s9 =	sadd.s32 $0xFFFFFEF7, lr;
	s5 =	simm.s32 $0xFFFFFFFF;
	p2 =	slt.u32 s8, $0xFFFFF086  }
0x1c: {  	p1 =	slt.u32 s9, $0xF7A;
	s5 =	simm.s32 @!p2 $0x0  }
0x1d: {  	s5 =	simm.s32 @p1 $0x1;
	p0 =	seq.s32 s7, s2  }
0x1e: {  	s7 =	smul.u32 @!p0 $0xF7A, s2;
	p2 =	seq.s32 @!p0 s5, $0x0  }
0x1f: {  	s9 =	smul.u32 $0xF7A, s1;
	s8 =	simm.s32 @!p0 $0x1BF5;
	p2 =	por !p2, p0  }
0x20: {  	[sflag:s8] =	ssyncset.s32 @!p0 $0xFFFFF086;
	s6 =	sadd.s32 @!p0 s3, s7;
	s7 =	simm.s32 @!p0 $0x108  }
0x21: {  	s3 =	sadd.s32 s3, s9;
	s6 =	sadd.s32 @!p0 $0x88, s6;
	s7 =	simm.s32 @p2 $0x1082  }
0x22: {  	[simem:s7], [sflag:s8] =	dma.local @!p0 [hbm:s6], $0xF7A  }
0x23: {  	s9 =	sor.u32 $0xD0000000, s2;
	s6 =	simm.s32 $0x108;
	_ =	swait.ge @!p0 [sflag:s8], $0x0  }
0x24: {  	s3 =	sadd.s32 $0x88, s3;
	s6 =	simm.s32 @!p1 $0x1082;
	[sflag:s4] =	ssyncset.s32 $0xFFFFF086  }
0x25: {  	[simem:s6], [sflag:s4] =	dma.local [hbm:s3], $0xF7A  }
0x26: {  	[smem:$0x3F9B] =	sst s1;
	(tag) =	ssettag s2;
	_ =	strace s9  }
0x27: {  	s1 =	sld [smem:$0x3FAB]  }
0x28: {  	s2 =	sld [smem:$0x3FAC]  }
0x29: {  	s4 =	sld [smem:$0x3FAE]  }
0x2a: {  	p0 =	seq.s32 s5, $0x0;
	s5 =	sld [smem:$0x3FAF]  }
0x2b: {  	s6 =	sld [smem:$0x3FB0]  }
0x2c: {  	s7 =	sld [smem:$0x3FB1]  }
0x2d: {  	s3 =	simm.s32 $0x108;
	s8 =	sld [smem:$0x3FB2]  }
0x2e: {  	s3 =	simm.s32 @!p0 $0x1082;
	s9 =	sld [smem:$0x3FB3]  }
0x2f: {  	lr =	sadd.s32 s0, s3;
	s0 =	sld [smem:$0x3FAA]  }
0x30: {  	s3 =	sld [smem:$0x3FAD]  }
0x31: {  	[smem:$0x3FB6] =	sst s10  }
0x32: {  	s10 =	sld [smem:$0x3FB4];
	_ =	sdelay $0x3  }
0x33: {  	p0 =	seq.s32 s10, $0x1;
	s10 =	sld [smem:$0x3FB6];
	_ =	sdelay $0x3  }
0x34: {  	[smem:$0x3FB6] =	sst s10  }
0x35: {  	s10 =	sld [smem:$0x3FB5];
	_ =	sdelay $0x3  }
0x36: {  	p1 =	seq.s32 s10, $0x1;
	s10 =	sld [smem:$0x3FB6];
	_ =	sdelay $0x3  }
0x37: {  	[smem:$0x3FB6] =	sst s10  }
0x38: {  	s10 =	sld [smem:$0x3FB7]  }
0x39: {  	_ = 	snop;
	(pc) =	sbr.ind lr, $3  }
0x3a: {  	_ = 	snop  }
0x3b: {  	_ = 	snop  }
0x3c: {  	p2 =	seq.s32 s10, $0x1;
	s10 =	sld [smem:$0x3FB6]  }
0x3d: {  	_ =	shalt  }
0x3e: {  	_ =	shalt  }
0x3f: {  	_ =	shalt  }
0x40: {  	_ =	shalt  }
0x41: {  	_ =	shalt  }
0x42: {  	_ =	shalt  }
0x43: {  	_ =	shalt  }
0x44: {  	_ =	shalt  }
0x45: {  	_ =	shalt  }
0x46: {  	_ =	shalt  }
0x47: {  	_ =	shalt  }
0x48: {  	_ =	shalt  }
0x49: {  	_ =	shalt  }
0x4a: {  	_ =	shalt  }
0x4b: {  	_ =	shalt  }
0x4c: {  	_ =	shalt  }
0x4d: {  	_ =	shalt  }
0x4e: {  	_ =	shalt  }
0x4f: {  	_ =	shalt  }
0x50: {  	_ =	shalt  }
0x51: {  	_ =	shalt  }
0x52: {  	_ =	shalt  }
0x53: {  	_ =	shalt  }
0x54: {  	_ =	shalt  }
0x55: {  	_ =	shalt  }
0x56: {  	_ =	shalt  }
0x57: {  	_ =	shalt  }
0x58: {  	_ =	shalt  }
0x59: {  	_ =	shalt  }
0x5a: {  	_ =	shalt  }
0x5b: {  	_ =	shalt  }
0x5c: {  	_ =	shalt  }
0x5d: {  	_ =	shalt  }
0x5e: {  	_ =	shalt  }
0x5f: {  	_ =	shalt  }
0x60: {  	_ =	shalt  }
0x61: {  	_ =	shalt  }
0x62: {  	_ =	shalt  }
0x63: {  	_ =	shalt  }
0x64: {  	_ =	shalt  }
0x65: {  	_ =	shalt  }
0x66: {  	_ =	shalt  }
0x67: {  	_ =	shalt  }
0x68: {  	_ =	shalt  }
0x69: {  	_ =	shalt  }
0x6a: {  	_ =	shalt  }
0x6b: {  	_ =	shalt  }
0x6c: {  	_ =	shalt  }
0x6d: {  	_ =	shalt  }
0x6e: {  	_ =	shalt  }
0x6f: {  	_ =	shalt  }
0x70: {  	_ =	shalt  }
0x71: {  	_ =	shalt  }
0x72: {  	_ =	shalt  }
0x73: {  	_ =	shalt  }
0x74: {  	_ =	shalt  }
0x75: {  	_ =	shalt  }
0x76: {  	_ =	shalt  }
0x77: {  	_ =	shalt  }
0x78: {  	_ =	shalt  }
0x79: {  	_ =	shalt  }
0x7a: {  	_ =	shalt  }
0x7b: {  	_ =	shalt  }
0x7c: {  	_ =	shalt  }
0x7d: {  	_ =	shalt  }
0x7e: {  	_ =	shalt  }
0x7f: {  	_ =	shalt  }
0x80: {  	_ =	shalt  }
0x81: {  	_ =	shalt  }
0x82: {  	_ =	shalt  }
0x83: {  	_ =	shalt  }
0x84: {  	_ =	shalt  }
0x85: {  	_ =	shalt  }
0x86: {  	_ =	shalt  }
0x87: {  	_ =	shalt  }
.Lfunc_end0:
.L_simem_size_0:
called_computation_lowered:
.L_overlay_start_0:
0x88: {  	s2 =	sld [smem:$0x3FD9]  }
0x89: {  	s3 =	sld [smem:$0x3FFE];
	_ =	sdelay $0x1  }
0x8a: {  	s1 =	srdreg.scid  }
0x8b: {  	s0 =	sand.u32 $0x1, s1  }
0x8c: {  	s17 =	sshll.u32 s0, $0xA;
	s2 =	sadd.s32 s3, s2  }
0x8d: {  	s2 =	sadd.s32 s2, s17  }
0x8e: {  	[smem:$0x3FC2] =	sst s2  }
0x8f: {  	_ = 	snop  }
0x90: {  	s2 =	sld [smem:$0x3FD0];
	(tm) =	ssettm $0x1  }
0x91: {  	s18 =	sld [smem:$0x3FFB];
	_ =	sdelay $0x3  }
0x92: {  	_ =	strace s18  }
0x93: {  	s3 =	sld [smem:$0x3FFC];
	_ =	sdelay $0x3  }
0x94: {  	_ =	strace s3  }
0x95: {  	s3 =	sld [smem:$0x3FFD];
	_ =	sdelay $0x3  }
0x96: {  	_ =	strace s3  }
0x97: {  	_ =	strace $0x8FFFFFFF  }
0x98: {  	s19 =	sld [smem:$0x3FDB];
	_ =	sdelay $0x1  }
0x99: {  	s4 =	simm.s32 $_scs_section_size  }
0x9a: {  	s5 =	simm.s32 $_size__tile_overlayer_lowered;
	s6 =	simm.s32 $_tile_overlayer_lowered  }
0x9b: {  	s22 =	simm.s32 $0x1BFF;
	s21 =	sshll.u32 s6, $0x1;
	s3 =	sadd.s32 s4, s19  }
0x9c: {  	s7 =	simm.s32 $0x0;
	s20 =	sshll.u32 s5, $0x1;
	s5 =	sadd.s32 s21, s3  }
0x9d: {  	[timem:s7], [sflag:s22] =	dma.local [hbm:s5], s20  }
0x9e: {  	_ =	swait.ge [sflag:s22], s20  }
0x9f: {  	s4 =	ssub.s32 $0x0, s20;
	[sflag:s22] =	ssyncset.done $0x0  }
0xa0: {  	[sflag:s22] =	ssyncadd.s32 s4;
	_ =	sdelay $0x1  }
0xa1: {  	s23 =	simm.s32 $0x1B8B  }
0xa2: {  	_ =	swait.ge [sflag:s23], $0x1  }
0xa3: {  	[sflag:s23] =	ssyncset.done $0x0  }
0xa4: {  	s25 =	simm.s32 $0x1B8E;
	s24 =	sld [smem:$0x3FFE];
	[sflag:s23] =	ssyncadd.s32 $0xFFFFFFFF  }
0xa5: {  	s26 =	simm.s32 $execute0_lowered;
	[smem:$0x3FD2] =	sst s25  }
0xa6: {  	s5 =	sshll.u32 s26, $0x1;
	_ =	strace $0x80000046;
	[dreg:$0x1] =	wrdreg $0xFFFFFFFF  }
0xa7: {  	s28 =	simm.s32 $_size_execute0_lowered;
	s3 =	sadd.s32 s3, s5;
	[dreg:$0x0] =	wrdreg $0x0  }
0xa8: {  	s5 =	sshll.u32 s28, $0x1;
	[dreg:$0x2] =	wrdreg s3  }
0xa9: {  	[dreg:$0x3] =	wrdreg s5  }
0xaa: {  	[dreg:$0x4] =	wrdreg $0xC0  }
0xab: {  	_ =	task [dreg:s7], $0x5FFFF  }
0xac: {  	[dreg:$0x1] =	wrdreg $0xFFFFFFFF  }
0xad: {  	[dreg:$0x0] =	wrdreg $0x60  }
0xae: {  	[dreg:$0x2] =	wrdreg s2  }
0xaf: {  	[dreg:$0x3] =	wrdreg s24  }
0xb0: {  	[dreg:$0x4] =	wrdreg $0x90000  }
0xb1: {  	[dreg:$0x5] =	wrdreg $0x9  }
0xb2: {  	_ =	task.clear_ibuf [dreg:s7], $0x6FFFF;
	_ =	strace $0x90000046  }
0xb3: {  	s29 =	simm.s32 $0x9;
	_ =	strace $0x80000048  }
0xb4: {  	_ =	swait.ge [sflag:s29], $0x1  }
0xb5: {  	[sflag:s29] =	ssyncadd.s32 $0xFFFFFFFF  }
0xb6: {  	_ =	strace $0x90000048  }
0xb7: {  	_ =	sfence  }
0xb8: {  	s30 =	sld [smem:$0x0];
	_ =	sdelay $0x2  }
0xb9: {  	s31 =	sshll.u32 s1, $0xD;
	s1 =	sshrl.u32 s1, $0x2  }
0xba: {  	s3 =	sand.u32 $0x4000, s31;
	s1 =	sadd.s32 s1, s30  }
0xbb: {  	s0 =	sor.u32 s3, s0;
	s1 =	sshll.u32 s1, $0x11  }
0xbc: {  	s0 =	sor.u32 s1, s0  }
0xbd: {  	s0 =	sadd.s32 $0x8F2B, s0  }
0xbe: {  	[sflag:s0] =	ssyncadd.remote.s32 $0x1  }
0xbf: {  	_ =	sfence.sel $0xFFFF  }
0xc0: {  	[dreg:$0x0] =	wrdreg $0xFFFFFFFF;
	(pc) =	sbr.abs _section_cstart, $3  }
0xc1: {  	[dreg:$0x1] =	wrdreg $0xFFFFFFFF  }
0xc2: {  	_ =	task.clear_ibuf [dreg:s7], $0x2FFFF;
	_ =	strace $0x9FFFFFFF  }
0xc3: {  	(tm) =	ssettm $0x7FFFFFFF  }
tec
execute0_lowered:
.L_overlay_start_1:
0x0: {  	(tag) =	ssettag $0x1  }
0x1: {  	s1 =	rddreg [dreg:$0x0]  }
0x2: {  	s0 =	srdreg.scid;
	s6 =	rddreg [dreg:$0x1]  }
0x3: {  	s3 =	rddreg [dreg:$0x2];
	s5 =	sand.u32 $0x1, s0  }
0x4: {  	s4 =	simm.s32 $0x0;
	s0 =	stileid.u32;
	s8 =	smul.u32 $0x27800, s5  }
0x5: {  	[smem:$0x7FF] =	sst s4;
	s9 =	smul.u32 $0x278, s0  }
0x6: {  	s2 =	sshll.u32 s5, $0x4;
	s10 =	smul.u32 $0x4F000, s0;
	s5 =	ssub.s32 $0x2, s5  }
0x7: {  	s18 =	smul.u32 $0x2780, s0;
	s2 =	sor.u32 s0, s2;
	s26 =	sshrl.u32 s5, $0x1  }
0x8: {  	s7 =	smul.u32 $0x500, s2;
	s2 =	rddreg [dreg:$0x3];
	_ =	strace $0x80000047  }
0x9: {  	s12 =	sadd.s32 s8, s6;
	s28 =	sshrl.u32 s10, $0x2;
	s13 =	sadd.s32 $0x80, s9  }
0xa: {  	s14 =	ssub.s32 s5, s26;
	s15 =	sadd.s32 $0x100, s9;
	s16 =	sadd.s32 $0x180, s9  }
0xb: {  	s17 =	sadd.s32 $0x200, s9;
	s5 =	sadd.s32 s28, s3;
	s29 =	sshll.u32 s13, $0x7  }
0xc: {  	s30 =	sshll.u32 s15, $0x7;
	s31 =	sshll.u32 s16, $0x7;
	s9 =	sshll.u32 s17, $0x7  }
0xd: {  	s22 =	sadd.s32 $0x15800, s12;
	s19 =	sshll.u32 s13, $0x4;
	s20 =	sshll.u32 s15, $0x4  }
0xe: {  	s21 =	sshll.u32 s16, $0x4;
	s23 =	sshll.u32 s17, $0x4;
	s12 =	smax.u32 s14, $0x1  }
0xf: {  	s13 =	simm.s32 $0x5000;
	s14 =	simm.s32 $0x2;
	s15 =	simm.s32 $0x2800  }
0x10: {  	s16 =	simm.s32 $0x1;
	s17 =	simm.s32 $0x80;
	s11 =	sadd.s32 s7, s6  }
0x11: {  	s6 =	sadd.s32 s29, s3;
	s7 =	sadd.s32 s30, s3;
	s8 =	sadd.s32 s31, s3  }
0x12: {  	s9 =	sadd.s32 s9, s3;
	s18 =	sadd.s32 s18, s22;
	s19 =	sadd.s32 s19, s22  }
0x13: {  	s20 =	sadd.s32 s20, s22;
	s21 =	sadd.s32 s21, s22;
	s22 =	sadd.s32 s23, s22  }
0x14: {  	v0 =	vimm.f32 $0.0e+00;
	s23 =	simm.s32 $0x0;
	s10 =	sadd.s32 $0xB800, s11;
	s11 =	sadd.s32 $0x1800, s11  }
.LBB2_1:
0x15: {  	s24 =	sand.u32 $0xFE00, s4  }
0x16: {  	s25 =	sand.u32 $0x70, s4;
	s26 =	sshrl.u32 s24, $0x2  }
0x17: {  	s24 =	simm.s32 $0x40;
	s26 =	sor.u32 s25, s26;
	s25 =	simm.s32 $0x0  }
.LBB2_2:
0x18: {  	p0 =	sne.s32 s24, $0xFFC0  }
0x19: {  	[tilespmem:s26+$0x5000] =	vst v0;
	s25 =	sadd.s32 $0x10, s25;
	s26 =	smov.u32 s24;
	s24 =	sadd.s32 $0x40, s24  }
.Ltmp0:
0x1a: {  	(pc) =	sbr.rel @p0 .LBB2_2-.Ltmp0, $4  }
0x1b: {  	_ = 	snop  }
0x1c: {  	s26 =	sand.u32 $0xFE00, s26  }
0x1d: {  	s28 =	sand.u32 $0x70, s25;
	s26 =	sshrl.u32 s26, $0x2  }
0x1e: {  	s26 =	sor.u32 s28, s26  }
0x1f: {  	[tilespmem:s26+$0x5000] =	vst v0  }
0x20: {  	[spmem:s5] =	stream.linear.scatter [tilespmem:s13], [sflag:$0x1], $0x4000, $0x38;
	[tilespmem:$0x1CC00] =	vst v63  }
0x21: {  	_ = 	snop  }
0x22: {  	[spmem:s6] =	stream.linear.scatter [tilespmem:s13], [sflag:$0x1], $0x4000, $0x38;
	[tilespmem:$0x1CC00] =	vst v63  }
0x23: {  	_ = 	snop  }
0x24: {  	[spmem:s7] =	stream.linear.scatter [tilespmem:s13], [sflag:$0x1], $0x4000, $0x38;
	[tilespmem:$0x1CC00] =	vst v63  }
0x25: {  	_ = 	snop  }
0x26: {  	[spmem:s8] =	stream.linear.scatter [tilespmem:s13], [sflag:$0x1], $0x4000, $0x38;
	[tilespmem:$0x1CC00] =	vst v63  }
0x27: {  	_ = 	snop  }
0x28: {  	[spmem:s9] =	stream.linear.scatter [tilespmem:s13], [sflag:$0x1], $0x3C00, $0x38;
	[tilespmem:$0x1CC00] =	vst v63  }
0x29: {  	s24 =	simm.s32 $0x0  }
0x2a: {  	[tilespmem:s24], [sflag:$0x2] =	stream.linear.gather [hbm4b:s10+s24], $0x2780, $0x38;
	[tilespmem:$0x1CC00] =	vst v63  }
0x2b: {  	_ =	swait.ge [sflag:s14], $0x2780  }
0x2c: {  	[sflag:s14] =	ssyncset.done $0x0  }
0x2d: {  	[sflag:s14] =	ssyncadd.s32 $0xFFFFD880  }
0x2e: {  	[tilespmem:s15], [sflag:$0x2] =	stream.linear.gather [hbm4b:s11+s24], $0x2780, $0x38;
	[tilespmem:$0x1CC00] =	vst v63  }
0x2f: {  	_ =	swait.ge [sflag:s14], $0x2780  }
0x30: {  	[sflag:s14] =	ssyncset.done $0x0  }
0x31: {  	[sflag:s14] =	ssyncadd.s32 $0xFFFFD880  }
0x32: {  	_ =	swait.ge [sflag:s16], $0x4000  }
0x33: {  	[sflag:s16] =	ssyncset.done $0x0  }
0x34: {  	[sflag:s16] =	ssyncadd.s32 $0xFFFFC000  }
0x35: {  	_ =	swait.ge [sflag:s16], $0x4000  }
0x36: {  	[sflag:s16] =	ssyncset.done $0x0  }
0x37: {  	[sflag:s16] =	ssyncadd.s32 $0xFFFFC000  }
0x38: {  	_ =	swait.ge [sflag:s16], $0x4000  }
0x39: {  	[sflag:s16] =	ssyncset.done $0x0  }
0x3a: {  	[sflag:s16] =	ssyncadd.s32 $0xFFFFC000  }
0x3b: {  	_ =	swait.ge [sflag:s16], $0x4000  }
0x3c: {  	[sflag:s16] =	ssyncset.done $0x0  }
0x3d: {  	[sflag:s16] =	ssyncadd.s32 $0xFFFFC000  }
0x3e: {  	_ =	swait.ge [sflag:s16], $0x3C00  }
0x3f: {  	[sflag:s16] =	ssyncset.done $0x0  }
0x40: {  	[sflag:s16] =	ssyncadd.s32 $0xFFFFC400  }
0x41: {  	s30 =	simm.s32 $0x0;
	[bflag:$0x0] =	sbarrier.arrive $0xFFFF  }
0x42: {  	[tilespmem:s13], [sflag:$0x1] =	stream.indirect.gather [hbm4b:s1+s17], $0x80, s30, s17, $0xb8;
	[tilespmem:$0x1CC00] =	vst v63  }
0x43: {  	_ =	swait.ge [sflag:s16], $0x4000  }
0x44: {  	[sflag:s16] =	ssyncset.done $0x0  }
0x45: {  	s31 =	simm.s32 $0x2800;
	[sflag:s16] =	ssyncadd.s32 $0xFFFFC000  }
0x46: {  	[spmem:s3] =	stream.indirect.scatter.add.f32 [tilespmem:s13], [sflag:$0x2], $0x80, s31, s17, $0xb8;
	[tilespmem:$0x1CC00] =	vst v63  }
0x47: {  	_ =	swait.ge [sflag:s14], $0x4000  }
0x48: {  	s25 =	simm.s32 $0x400;
	s24 =	simm.s32 $0x200;
	[sflag:s14] =	ssyncset.done $0x0  }
.LBB2_4:
0x49: {  	s26 =	sshra.s32 s24, $0x2  }
0x4a: {  	[sflag:s14] =	ssyncadd.s32 $0xFFFFC000;
	s24 =	smov.u32 s25;
	s28 =	sadd.s32 $0x200, s25  }
0x4b: {  	[tilespmem:s13], [sflag:$0x1] =	stream.indirect.gather [hbm4b:s1+s17], $0x80, s26, s17, $0xb8;
	[tilespmem:$0x1CC00] =	vst v63  }
0x4c: {  	p0 =	sne.s32 s25, $0x9C00;
	_ =	swait.ge [sflag:s16], $0x4000  }
.Ltmp1:
0x4d: {  	[sflag:s16] =	ssyncset.done $0x0;
	(pc) =	sbr.rel @p0 .LBB2_4-.Ltmp1, $4  }
0x4e: {  	s25 =	sadd.s32 $0x2800, s26;
	[sflag:s16] =	ssyncadd.s32 $0xFFFFC000  }
0x4f: {  	[spmem:s3] =	stream.indirect.scatter.add.f32 [tilespmem:s13], [sflag:$0x2], $0x80, s25, s17, $0xb8;
	[tilespmem:$0x1CC00] =	vst v63  }
0x50: {  	_ =	swait.ge [sflag:s14], $0x4000  }
0x51: {  	s25 =	smov.u32 s28;
	[sflag:s14] =	ssyncset.done $0x0  }
0x52: {  	s24 =	sshra.s32 s24, $0x2;
	[sflag:s14] =	ssyncadd.s32 $0xFFFFC000  }
0x53: {  	[tilespmem:s13], [sflag:$0x1] =	stream.indirect.gather [hbm4b:s1+s17], $0x80, s24, s17, $0xb8;
	[tilespmem:$0x1CC00] =	vst v63  }
0x54: {  	_ =	swait.ge [sflag:s16], $0x4000  }
0x55: {  	[sflag:s16] =	ssyncset.done $0x0  }
0x56: {  	s24 =	sadd.s32 $0x2800, s24;
	[sflag:s16] =	ssyncadd.s32 $0xFFFFC000  }
0x57: {  	[spmem:s3] =	stream.indirect.scatter.add.f32 [tilespmem:s13], [sflag:$0x2], $0x80, s24, s17, $0xb8;
	[tilespmem:$0x1CC00] =	vst v63  }
0x58: {  	_ =	swait.ge [sflag:s14], $0x4000  }
0x59: {  	[sflag:s14] =	ssyncset.done $0x0  }
0x5a: {  	[sflag:s14] =	ssyncadd.s32 $0xFFFFC000  }
0x5b: {  	[bflag:$0x0] =	sbarrier.arrive $0xFFFF  }
0x5c: {  	[tilespmem:s13], [sflag:$0x2] =	stream.linear.gather [spmem:s5], $0x4000, $0x38;
	[tilespmem:$0x1CC00] =	vst v63  }
0x5d: {  	_ =	swait.ge [sflag:s14], $0x4000  }
0x5e: {  	[sflag:s14] =	ssyncset.done $0x0  }
0x5f: {  	[sflag:s14] =	ssyncadd.s32 $0xFFFFC000  }
0x60: {  	[hbm4b:s18+s4] =	stream.linear.scatter [tilespmem:s13], [sflag:$0x2], $0x4000, $0x38;
	[tilespmem:$0x1CC00] =	vst v63  }
0x61: {  	_ =	swait.ge [sflag:s14], $0x4000  }
0x62: {  	[sflag:s14] =	ssyncset.done $0x0  }
0x63: {  	[sflag:s14] =	ssyncadd.s32 $0xFFFFC000  }
0x64: {  	[tilespmem:s13], [sflag:$0x2] =	stream.linear.gather [spmem:s6], $0x4000, $0x38;
	[tilespmem:$0x1CC00] =	vst v63  }
0x65: {  	_ =	swait.ge [sflag:s14], $0x4000  }
0x66: {  	[sflag:s14] =	ssyncset.done $0x0  }
0x67: {  	[sflag:s14] =	ssyncadd.s32 $0xFFFFC000  }
0x68: {  	[hbm4b:s19+s4] =	stream.linear.scatter [tilespmem:s13], [sflag:$0x2], $0x4000, $0x38;
	[tilespmem:$0x1CC00] =	vst v63  }
0x69: {  	_ =	swait.ge [sflag:s14], $0x4000  }
0x6a: {  	[sflag:s14] =	ssyncset.done $0x0  }
0x6b: {  	[sflag:s14] =	ssyncadd.s32 $0xFFFFC000  }
0x6c: {  	[tilespmem:s13], [sflag:$0x2] =	stream.linear.gather [spmem:s7], $0x4000, $0x38;
	[tilespmem:$0x1CC00] =	vst v63  }
0x6d: {  	_ =	swait.ge [sflag:s14], $0x4000  }
0x6e: {  	[sflag:s14] =	ssyncset.done $0x0  }
0x6f: {  	[sflag:s14] =	ssyncadd.s32 $0xFFFFC000  }
0x70: {  	[hbm4b:s20+s4] =	stream.linear.scatter [tilespmem:s13], [sflag:$0x2], $0x4000, $0x38;
	[tilespmem:$0x1CC00] =	vst v63  }
0x71: {  	_ =	swait.ge [sflag:s14], $0x4000  }
0x72: {  	[sflag:s14] =	ssyncset.done $0x0  }
0x73: {  	[sflag:s14] =	ssyncadd.s32 $0xFFFFC000  }
0x74: {  	[tilespmem:s13], [sflag:$0x2] =	stream.linear.gather [spmem:s8], $0x4000, $0x38;
	[tilespmem:$0x1CC00] =	vst v63  }
0x75: {  	_ =	swait.ge [sflag:s14], $0x4000  }
0x76: {  	[sflag:s14] =	ssyncset.done $0x0  }
0x77: {  	[sflag:s14] =	ssyncadd.s32 $0xFFFFC000  }
0x78: {  	[hbm4b:s21+s4] =	stream.linear.scatter [tilespmem:s13], [sflag:$0x2], $0x4000, $0x38;
	[tilespmem:$0x1CC00] =	vst v63  }
0x79: {  	_ =	swait.ge [sflag:s14], $0x4000  }
0x7a: {  	[sflag:s14] =	ssyncset.done $0x0  }
0x7b: {  	[sflag:s14] =	ssyncadd.s32 $0xFFFFC000  }
0x7c: {  	[tilespmem:s13], [sflag:$0x2] =	stream.linear.gather [spmem:s9], $0x3C00, $0x38;
	[tilespmem:$0x1CC00] =	vst v63  }
0x7d: {  	s23 =	sadd.s32 $0x1, s23;
	_ =	swait.ge [sflag:s14], $0x3C00  }
0x7e: {  	p0 =	sne.s32 s23, s12;
	[sflag:s14] =	ssyncset.done $0x0  }
.Ltmp2:
0x7f: {  	[sflag:s14] =	ssyncadd.s32 $0xFFFFC400;
	(pc) =	sbr.rel @p0 .LBB2_1-.Ltmp2, $4  }
0x80: {  	[hbm4b:s22+s4] =	stream.linear.scatter [tilespmem:s13], [sflag:$0x2], $0x3C00, $0x38;
	[tilespmem:$0x1CC00] =	vst v63  }
0x81: {  	_ =	swait.ge [sflag:s14], $0x3C00  }
0x82: {  	[sflag:s14] =	ssyncset.done $0x0  }
0x83: {  	[sflag:s14] =	ssyncadd.s32 $0xFFFFC400  }
0x84: {  	_ =	sfence.sel $0x180000  }
0x85: {  	[bflag:$0x0] =	sbarrier.arrive $0xFFFF  }
0x86: {  	p0 =	sne.s32 s0, $0x0;
	_ =	strace $0x90000047  }
0x87: {  	s0 =	sadd.s32 @!p0 $0x100000, s2;
	[bflag:$0x2] =	sbarrier.arrive $0xFFFF  }
0x88: {  	[sflag:s0] =	ssyncadd.tile.s32 @!p0 $0x1;
	_ =	shalt  }
.Lfunc_end2:
_tile_overlayer_lowered:
.L_overlay_start_2:
0x89: {  	(tag) =	ssettag $0x2  }
0x8a: {  	s0 =	rddreg [dreg:$0x0];
	s2 =	stileid.u32  }
0x8b: {  	s1 =	rddreg [dreg:$0x1];
	p0 =	sne.s32 s2, $0x0  }
0x8c: {  	s3 =	rddreg [dreg:$0x2];
	[bflag:$0x3] =	sbarrier.arrive $0xFFFF;
	s2 =	simm.s32 @!p0 $0x1C02  }
0x8d: {  	[timem:s3], [sflag:s2] =	dma.local @!p0 [hbm:s0], s1  }
0x8e: {  	s0 =	simm.s32 @!p0 $0x2  }
0x8f: {  	_ =	swait.ge @!p0 [sflag:s0], s1  }
0x90: {  	s1 =	ssub.s32 @!p0 $0x0, s1;
	[sflag:s0] =	ssyncset.done @!p0 $0x0  }
0x91: {  	[sflag:s0] =	ssyncadd.s32 @!p0 s1  }
0x92: {  	[bflag:$0x3] =	sbarrier.arrive $0xFFFF  }
0x93: {  	_ =	shalt  }

</sc_bundles>
